<compile_context>
chip_gen: v7x
topology: tpu7x:2x2x1
jax: 0.10.2.dev20260603
libtpu: 0.0.44.dev20260713+nightly
codegen_flags: <defaults>
</compile_context>

<pallas_src>
import dataclasses
import functools

import jax
import jax.numpy as jnp
from jax import lax
from jax.experimental import pallas as pl
from jax.experimental.pallas import tpu as pltpu
from jax.experimental.pallas import tpu_sc as plsc

NUM_WORKERS = 32
_LANES = 16

_cp = pltpu.CompilerParams()
if "needs_layout_passes" in pltpu.CompilerParams.__dataclass_fields__:
    _cp = dataclasses.replace(_cp, needs_layout_passes=False)
if "use_tc_tiling_on_sc" in pltpu.CompilerParams.__dataclass_fields__:
    _cp = dataclasses.replace(_cp, use_tc_tiling_on_sc=False)

_MESH = plsc.VectorSubcoreMesh(core_axis_name="c", subcore_axis_name="s")

_PREC = jax.lax.Precision.HIGHEST
_PREC_SMALL = jax.lax.Precision.DEFAULT


def _zero_fill(ref, total, unroll):
    zero16 = jnp.zeros((_LANES,), jnp.float32)
    step = unroll * _LANES
    assert total % step == 0

    @pl.loop(0, total, step=step)
    def _(i):
        for u in range(unroll):
            ref[pl.ds(i + u * _LANES, _LANES)] = zero16



def _pad128(x):
    return ((x + 127) // 128) * 128


@functools.lru_cache(maxsize=None)
def _make_deg_kernel(n_nodes: int, n_edges: int):
    ep = n_edges // NUM_WORKERS
    npad = _pad128(n_nodes)
    assert n_edges % NUM_WORKERS == 0 and ep % _LANES == 0
    ep_main = (ep // 32) * 32

    @functools.partial(
        pl.kernel,
        out_type=[
            jax.ShapeDtypeStruct((NUM_WORKERS * npad,), jnp.float32),
            jax.ShapeDtypeStruct((2 * n_edges,), jnp.int32),
        ],
        mesh=_MESH,
        scratch_types=[
            pltpu.VMEM((ep,), jnp.int32),
            pltpu.VMEM((ep,), jnp.int32),
            pltpu.VMEM((n_nodes,), jnp.float32),
            pltpu.SemaphoreType.DMA,
            pltpu.SemaphoreType.DMA,
        ],
        compiler_params=_cp,
    )
    def deg_kernel(ei_hbm, out_hbm, edges_hbm, src_v, dst_v, deg_v, sem_s, sem_d):
        wid = lax.axis_index("s") * 2 + lax.axis_index("c")
        cp_d = pltpu.async_copy(ei_hbm.at[1, pl.ds(wid * ep, ep)], dst_v, sem_d)
        cp_s = pltpu.async_copy(ei_hbm.at[0, pl.ds(wid * ep, ep)], src_v, sem_s)
        _zero_fill(deg_v, n_nodes, 5)
        cp_d.wait()
        cp_s.wait()
        cp_so = pltpu.async_copy(src_v, edges_hbm.at[pl.ds(wid * 2 * ep, ep)],
                                 sem_s)

        ones16 = jnp.ones((_LANES,), jnp.float32)

        @pl.loop(0, ep_main, step=2 * _LANES)
        def _(i):
            d0 = dst_v[pl.ds(i, _LANES)]
            d1 = dst_v[pl.ds(i + _LANES, _LANES)]
            plsc.addupdate_scatter(deg_v, [d0], ones16)
            plsc.addupdate_scatter(deg_v, [d1], ones16)

        for i in range(ep_main, ep, _LANES):
            plsc.addupdate_scatter(deg_v, [dst_v[pl.ds(i, _LANES)]], ones16)

        cp_so.wait()
        pltpu.sync_copy(dst_v, edges_hbm.at[pl.ds(wid * 2 * ep + ep, ep)])
        pltpu.sync_copy(deg_v, out_hbm.at[pl.ds(wid * npad, n_nodes)])

    return deg_kernel


@functools.lru_cache(maxsize=None)
def _make_agg_kernel(n_nodes: int, n_edges: int, w: int):
    ep = n_edges // NUM_WORKERS
    tbl = w * n_nodes
    tblp = _pad128(tbl)
    assert n_edges % NUM_WORKERS == 0 and ep % _LANES == 0
    assert tbl % (10 * _LANES) == 0
    ep_main = (ep // 32) * 32

    @functools.partial(
        pl.kernel,
        out_type=jax.ShapeDtypeStruct((NUM_WORKERS * tblp,), jnp.float32),
        mesh=_MESH,
        scratch_types=[
            pltpu.VMEM((ep,), jnp.int32),
            pltpu.VMEM((ep,), jnp.int32),
            pltpu.VMEM((tbl,), jnp.float32),
            pltpu.VMEM((tbl,), jnp.float32),
            pltpu.SemaphoreType.DMA,
            pltpu.SemaphoreType.DMA,
            pltpu.SemaphoreType.DMA,
        ],
        compiler_params=_cp,
    )
    def agg_kernel(z_hbm, edges_hbm, out_hbm,
                   src_v, dst_v, z_v, acc_v, sem_s, sem_d, sem_z):
        wid = lax.axis_index("s") * 2 + lax.axis_index("c")
        cp_s = pltpu.async_copy(edges_hbm.at[pl.ds(wid * 2 * ep, ep)],
                                src_v, sem_s)
        cp_d = pltpu.async_copy(edges_hbm.at[pl.ds(wid * 2 * ep + ep, ep)],
                                dst_v, sem_d)
        cp_z = pltpu.async_copy(z_hbm, z_v, sem_z)
        _zero_fill(acc_v, tbl, 10)
        cp_s.wait()
        cp_d.wait()
        cp_z.wait()

        def do_group(s, d):
            vals = []
            for c in range(w):
                si = (s + c * n_nodes) if c else s
                vals.append((plsc.load_gather(z_v, [si]),
                             (d + c * n_nodes) if c else d))
            for v, di in vals:
                plsc.addupdate_scatter(acc_v, [di], v)

        @pl.loop(0, ep_main, step=2 * _LANES)
        def _(i):
            s0 = src_v[pl.ds(i, _LANES)]
            d0 = dst_v[pl.ds(i, _LANES)]
            s1 = src_v[pl.ds(i + _LANES, _LANES)]
            d1 = dst_v[pl.ds(i + _LANES, _LANES)]
            do_group(s0, d0)
            do_group(s1, d1)

        for i in range(ep_main, ep, _LANES):
            do_group(src_v[pl.ds(i, _LANES)], dst_v[pl.ds(i, _LANES)])

        pltpu.sync_copy(acc_v, out_hbm.at[pl.ds(wid * tblp, tbl)])

    return agg_kernel



def _rows2d(flat, w, n):
    return jnp.concatenate([flat[c * n:(c + 1) * n][None, :] for c in range(w)],
                           axis=0)


def _sum_parts(parts_ref, span):
    stride = _pad128(span)
    acc = parts_ref[pl.ds(0, span)]
    for i in range(1, NUM_WORKERS):
        acc = acc + parts_ref[pl.ds(i * stride, span)]
    return acc


def _tc0_body(x_ref, w1t_ref, xw1_ref):
    n = x_ref.shape[0]
    w1 = w1t_ref.shape[0]
    xwt = lax.dot_general(w1t_ref[...], x_ref[...],
                          (((1,), (1,)), ((), ())),
                          precision=_PREC,
                          preferred_element_type=jnp.float32)
    for c in range(w1):
        xw1_ref[pl.ds(c * n, n)] = xwt[c]


def _tc1_body(deg_parts_ref, xw1_ref, dinv_ref, z1_ref):
    n = dinv_ref.shape[0]
    w1 = xw1_ref.shape[0] // n
    deg = _sum_parts(deg_parts_ref, n) + 1.0
    dinv = lax.rsqrt(deg)
    dinv_ref[...] = dinv
    for c in range(w1):
        z1_ref[pl.ds(c * n, n)] = xw1_ref[pl.ds(c * n, n)] * dinv


def _tc_layer_body(parts_ref, z_ref, dinv_ref, wt_ref, bcol_ref, zout_ref):
    w_out, w = wt_ref.shape
    n = dinv_ref.shape[0]
    flat = _sum_parts(parts_ref, w * n)
    acc = _rows2d(flat + z_ref[...], w, n)
    dinv = dinv_ref[...][None, :]
    h = jnp.maximum(dinv * acc + bcol_ref[...], 0.0)
    zout = lax.dot_general(wt_ref[...], h,
                           (((1,), (0,)), ((), ())),
                           precision=_PREC_SMALL,
                           preferred_element_type=jnp.float32) * dinv
    for c in range(w_out):
        zout_ref[pl.ds(c * n, n)] = zout[c]


def _tc_final_body(parts_ref, z_ref, dinv_ref, wcx_ref, b3col_ref, bcrow_ref,
                   h_ref, out_ref):
    w = b3col_ref.shape[0]
    n = dinv_ref.shape[0]
    flat = _sum_parts(parts_ref, w * n)
    acc = _rows2d(flat + z_ref[...], w, n)
    dinv = dinv_ref[...][None, :]
    h = jnp.maximum(dinv * acc + b3col_ref[...], 0.0)
    both = lax.dot_general(h, wcx_ref[...],
                           (((0,), (0,)), ((), ())),
                           precision=_PREC_SMALL,
                           preferred_element_type=jnp.float32)
    h_ref[...] = both[:, :w]
    out_ref[...] = both[:, w:] + bcrow_ref[...]


def _f32(shape):
    return jax.ShapeDtypeStruct(shape, jnp.float32)



def kernel(x, edge_index, W1, b1, W2, b2, W3, b3, Wc, bc):
    n, _ = x.shape
    e = edge_index.shape[1]
    w1 = W1.shape[1]
    w2 = W2.shape[1]
    w3 = W3.shape[1]
    c_out = Wc.shape[1]

    ei = edge_index.astype(jnp.int32)

    deg_parts, edges = _make_deg_kernel(n, e)(ei)

    xw1 = pl.pallas_call(_tc0_body, out_shape=_f32((w1 * n,)))(x, W1.T)

    dinv, z1 = pl.pallas_call(
        _tc1_body,
        out_shape=[_f32((n,)), _f32((w1 * n,))],
    )(deg_parts, xw1)

    p1 = _make_agg_kernel(n, e, w1)(z1, edges)
    z2 = pl.pallas_call(
        _tc_layer_body,
        out_shape=_f32((w2 * n,)),
    )(p1, z1, dinv, W2.T, b1[:, None])

    p2 = _make_agg_kernel(n, e, w2)(z2, edges)
    z3 = pl.pallas_call(
        _tc_layer_body,
        out_shape=_f32((w3 * n,)),
    )(p2, z2, dinv, W3.T, b2[:, None])

    p3 = _make_agg_kernel(n, e, w3)(z3, edges)
    wcx = jnp.concatenate([jnp.eye(w3, dtype=jnp.float32), Wc], axis=1)
    h, out = pl.pallas_call(
        _tc_final_body,
        out_shape=[_f32((n, w3)), _f32((n, c_out))],
    )(p3, z3, dinv, wcx, b3[:, None], bc[None, :])

    return (out, h)

# --- scband reference (transcript-rebuilt; emitter-appended) ---
"""Pipeline reference for scband-gcn-884763263089 (READ-ONLY COPY).

The authoritative reference and input builder live on the scoring server;
editing this copy changes nothing except your own understanding.
"""

import jax, jax.numpy as jnp
import numpy as np

N = 10000
E = 320000
D = 128
C = 70


def gcn_conv(x, src, dst, W, b):
    n = x.shape[0]
    loop = jnp.arange(n, dtype=src.dtype)
    s = jnp.concatenate([src, loop])
    d = jnp.concatenate([dst, loop])
    deg = jax.ops.segment_sum(jnp.ones(s.shape[0], dtype=x.dtype), d, num_segments=n)
    dinv = jnp.where(deg > 0, deg ** -0.5, 0.0)
    norm = dinv[s] * dinv[d]
    xw = x @ W
    msg = xw[s] * norm[:, None]
    out = jax.ops.segment_sum(msg, d, num_segments=n)
    return out + b


def setup_inputs(seed: int = 0):
    key = jax.random.key(seed)
    ks = jax.random.split(key, 8)
    x = jax.random.normal(ks[0], (N, D), dtype=jnp.float32)
    edge_index = jax.random.randint(ks[1], (2, E), 0, N).astype(jnp.int64)

    def lin(k, fan_in, fan_out):
        return jax.random.normal(k, (fan_in, fan_out), dtype=jnp.float32) * (1.0 / np.sqrt(fan_in))

    W1 = lin(ks[2], D, 4)
    b1 = jnp.zeros((4,), jnp.float32)
    W2 = lin(ks[3], 4, 4)
    b2 = jnp.zeros((4,), jnp.float32)
    W3 = lin(ks[4], 4, 2)
    b3 = jnp.zeros((2,), jnp.float32)
    Wc = lin(ks[5], 2, C)
    bc = jnp.zeros((C,), jnp.float32)
    return {"x": x, "edge_index": edge_index, "W1": W1, "b1": b1, "W2": W2, "b2": b2, "W3": W3, "b3": b3, "Wc": Wc, "bc": bc}


def reference(x, edge_index, W1, b1, W2, b2, W3, b3, Wc, bc):
    src = edge_index[0]
    dst = edge_index[1]
    h = jax.nn.relu(gcn_conv(x, src, dst, W1, b1))
    h = jax.nn.relu(gcn_conv(h, src, dst, W2, b2))
    h = jax.nn.relu(gcn_conv(h, src, dst, W3, b3))
    out = h @ Wc + bc
    return (out, h)

if __name__ == "__main__":
    import jax
    _d = setup_inputs()
    print(jax.jit(kernel)(*tuple(_d.values())))

</pallas_src>

<mosaic_0001>
#map = affine_map<(d0, d1) -> (0)>
module attributes {stable_mosaic.version = 14 : i64} {
  func.func @agg_kernel(%arg0: i32, %arg1: i32, %arg2: memref<20000xf32, #tpu.memory_space<hbm>>, %arg3: memref<640000xi32, #tpu.memory_space<hbm>>, %arg4: memref<643072xf32, #tpu.memory_space<hbm>>, %arg5: memref<10000xi32, #tpu.memory_space<vmem>>, %arg6: memref<10000xi32, #tpu.memory_space<vmem>>, %arg7: memref<20000xf32, #tpu.memory_space<vmem>>, %arg8: memref<20000xf32, #tpu.memory_space<vmem>>, %arg9: memref<!tpu.dma_semaphore, #tpu.memory_space<semaphore_mem>>, %arg10: memref<!tpu.dma_semaphore, #tpu.memory_space<semaphore_mem>>, %arg11: memref<!tpu.dma_semaphore, #tpu.memory_space<semaphore_mem>>) attributes {dimension_semantics = [#tpu.dimension_semantics<core_parallel>, #tpu.dimension_semantics<subcore_parallel>], iteration_bounds = array<i64: 2, 16>, scalar_prefetch = 0 : i64, scratch_operands = 7 : i64, tpu.core_type = #tpu.core_type<sc_vector_subcore>, window_params = [{transform_indices = #map}, {transform_indices = #map}, {transform_indices = #map}]} {
    %mul3A = arith.constant 2 : i32
    %mul3A_0 = arith.muli %arg1, %mul3A : i32
    %add3A = arith.addi %mul3A_0, %arg0 : i32
    %mul3A_1 = arith.constant 2 : i32
    %mul3A_2 = arith.muli %add3A, %mul3A_1 : i32
    %mul3A_3 = arith.constant 10000 : i32
    %mul3A_4 = arith.muli %mul3A_2, %mul3A_3 : i32
    %dma_start3A = tpu.memref_slice %arg3[%mul3A_4] : memref<640000xi32, #tpu.memory_space<hbm>> -> memref<10000xi32, #tpu.memory_space<hbm>>
    %dma_start3A_5 = tpu.memref_slice %arg3[%mul3A_4] : memref<640000xi32, #tpu.memory_space<hbm>> -> memref<10000xi32, #tpu.memory_space<hbm>>
    tpu.enqueue_dma source(%dma_start3A_5 : memref<10000xi32, #tpu.memory_space<hbm>>) target(%arg5 : memref<10000xi32, #tpu.memory_space<vmem>>) target_semaphore(%arg9 : memref<!tpu.dma_semaphore, #tpu.memory_space<semaphore_mem>>)
    %mul3A_6 = arith.constant 2 : i32
    %mul3A_7 = arith.muli %add3A, %mul3A_6 : i32
    %mul3A_8 = arith.constant 10000 : i32
    %mul3A_9 = arith.muli %mul3A_7, %mul3A_8 : i32
    %add3A_10 = arith.constant 10000 : i32
    %add3A_11 = arith.addi %mul3A_9, %add3A_10 : i32
    %dma_start3A_12 = tpu.memref_slice %arg3[%add3A_11] : memref<640000xi32, #tpu.memory_space<hbm>> -> memref<10000xi32, #tpu.memory_space<hbm>>
    %dma_start3A_13 = tpu.memref_slice %arg3[%add3A_11] : memref<640000xi32, #tpu.memory_space<hbm>> -> memref<10000xi32, #tpu.memory_space<hbm>>
    tpu.enqueue_dma source(%dma_start3A_13 : memref<10000xi32, #tpu.memory_space<hbm>>) target(%arg6 : memref<10000xi32, #tpu.memory_space<vmem>>) target_semaphore(%arg10 : memref<!tpu.dma_semaphore, #tpu.memory_space<semaphore_mem>>)
    tpu.enqueue_dma source(%arg2 : memref<20000xf32, #tpu.memory_space<hbm>>) target(%arg7 : memref<20000xf32, #tpu.memory_space<vmem>>) target_semaphore(%arg11 : memref<!tpu.dma_semaphore, #tpu.memory_space<semaphore_mem>>)
    %broadcast_in_dim3A = arith.constant 0.000000e+00 : f32
    %broadcast_in_dim3A_14 = vector.broadcast %broadcast_in_dim3A : f32 to vector<16xf32>
    %scan3A = arith.constant 0 : i32
    %scan3A_15 = arith.constant 125 : i32
    %scan3A_16 = arith.addi %scan3A, %scan3A_15 : i32
    %scan3A_17 = arith.constant 1 : i32
    scf.for %scan3A_39 = %scan3A to %scan3A_16 step %scan3A_17  : i32 {
      %mul3A_40 = arith.constant 160 : i32
      %mul3A_41 = arith.muli %scan3A_39, %mul3A_40 : i32
      %add3A_42 = arith.constant 0 : i32
      %add3A_43 = arith.addi %add3A_42, %mul3A_41 : i32
      %add3A_44 = arith.constant 0 : i32
      %add3A_45 = arith.addi %add3A_43, %add3A_44 : i32
      %swap3A = arith.index_cast %add3A_45 : i32 to index
      %swap3A_46 = tpu.vector_load %arg8[%swap3A] {strides = array<i32>} : memref<20000xf32, #tpu.memory_space<vmem>>, vector<16xf32>,
      tpu.vector_store %arg8[%swap3A], %broadcast_in_dim3A_14 {strides = array<i32>} : memref<20000xf32, #tpu.memory_space<vmem>>, vector<16xf32>,
      %add3A_47 = arith.constant 16 : i32
      %add3A_48 = arith.addi %add3A_43, %add3A_47 : i32
      %swap3A_49 = arith.index_cast %add3A_48 : i32 to index
      %swap3A_50 = tpu.vector_load %arg8[%swap3A_49] {strides = array<i32>} : memref<20000xf32, #tpu.memory_space<vmem>>, vector<16xf32>,
      tpu.vector_store %arg8[%swap3A_49], %broadcast_in_dim3A_14 {strides = array<i32>} : memref<20000xf32, #tpu.memory_space<vmem>>, vector<16xf32>,
      %add3A_51 = arith.constant 32 : i32
      %add3A_52 = arith.addi %add3A_43, %add3A_51 : i32
      %swap3A_53 = arith.index_cast %add3A_52 : i32 to index
      %swap3A_54 = tpu.vector_load %arg8[%swap3A_53] {strides = array<i32>} : memref<20000xf32, #tpu.memory_space<vmem>>, vector<16xf32>,
      tpu.vector_store %arg8[%swap3A_53], %broadcast_in_dim3A_14 {strides = array<i32>} : memref<20000xf32, #tpu.memory_space<vmem>>, vector<16xf32>,
      %add3A_55 = arith.constant 48 : i32
      %add3A_56 = arith.addi %add3A_43, %add3A_55 : i32
      %swap3A_57 = arith.index_cast %add3A_56 : i32 to index
      %swap3A_58 = tpu.vector_load %arg8[%swap3A_57] {strides = array<i32>} : memref<20000xf32, #tpu.memory_space<vmem>>, vector<16xf32>,
      tpu.vector_store %arg8[%swap3A_57], %broadcast_in_dim3A_14 {strides = array<i32>} : memref<20000xf32, #tpu.memory_space<vmem>>, vector<16xf32>,
      %add3A_59 = arith.constant 64 : i32
      %add3A_60 = arith.addi %add3A_43, %add3A_59 : i32
      %swap3A_61 = arith.index_cast %add3A_60 : i32 to index
      %swap3A_62 = tpu.vector_load %arg8[%swap3A_61] {strides = array<i32>} : memref<20000xf32, #tpu.memory_space<vmem>>, vector<16xf32>,
      tpu.vector_store %arg8[%swap3A_61], %broadcast_in_dim3A_14 {strides = array<i32>} : memref<20000xf32, #tpu.memory_space<vmem>>, vector<16xf32>,
      %add3A_63 = arith.constant 80 : i32
      %add3A_64 = arith.addi %add3A_43, %add3A_63 : i32
      %swap3A_65 = arith.index_cast %add3A_64 : i32 to index
      %swap3A_66 = tpu.vector_load %arg8[%swap3A_65] {strides = array<i32>} : memref<20000xf32, #tpu.memory_space<vmem>>, vector<16xf32>,
      tpu.vector_store %arg8[%swap3A_65], %broadcast_in_dim3A_14 {strides = array<i32>} : memref<20000xf32, #tpu.memory_space<vmem>>, vector<16xf32>,
      %add3A_67 = arith.constant 96 : i32
      %add3A_68 = arith.addi %add3A_43, %add3A_67 : i32
      %swap3A_69 = arith.index_cast %add3A_68 : i32 to index
      %swap3A_70 = tpu.vector_load %arg8[%swap3A_69] {strides = array<i32>} : memref<20000xf32, #tpu.memory_space<vmem>>, vector<16xf32>,
      tpu.vector_store %arg8[%swap3A_69], %broadcast_in_dim3A_14 {strides = array<i32>} : memref<20000xf32, #tpu.memory_space<vmem>>, vector<16xf32>,
      %add3A_71 = arith.constant 112 : i32
      %add3A_72 = arith.addi %add3A_43, %add3A_71 : i32
      %swap3A_73 = arith.index_cast %add3A_72 : i32 to index
      %swap3A_74 = tpu.vector_load %arg8[%swap3A_73] {strides = array<i32>} : memref<20000xf32, #tpu.memory_space<vmem>>, vector<16xf32>,
      tpu.vector_store %arg8[%swap3A_73], %broadcast_in_dim3A_14 {strides = array<i32>} : memref<20000xf32, #tpu.memory_space<vmem>>, vector<16xf32>,
      %add3A_75 = arith.constant 128 : i32
      %add3A_76 = arith.addi %add3A_43, %add3A_75 : i32
      %swap3A_77 = arith.index_cast %add3A_76 : i32 to index
      %swap3A_78 = tpu.vector_load %arg8[%swap3A_77] {strides = array<i32>} : memref<20000xf32, #tpu.memory_space<vmem>>, vector<16xf32>,
      tpu.vector_store %arg8[%swap3A_77], %broadcast_in_dim3A_14 {strides = array<i32>} : memref<20000xf32, #tpu.memory_space<vmem>>, vector<16xf32>,
      %add3A_79 = arith.constant 144 : i32
      %add3A_80 = arith.addi %add3A_43, %add3A_79 : i32
      %swap3A_81 = arith.index_cast %add3A_80 : i32 to index
      %swap3A_82 = tpu.vector_load %arg8[%swap3A_81] {strides = array<i32>} : memref<20000xf32, #tpu.memory_space<vmem>>, vector<16xf32>,
      tpu.vector_store %arg8[%swap3A_81], %broadcast_in_dim3A_14 {strides = array<i32>} : memref<20000xf32, #tpu.memory_space<vmem>>, vector<16xf32>,
    }
    %scan3A_18 = arith.constant 125 : i32
    %dma_wait3A = tpu.memref_slice %arg3[%mul3A_4] : memref<640000xi32, #tpu.memory_space<hbm>> -> memref<10000xi32, #tpu.memory_space<hbm>>
    %dma_wait3A_19 = tpu.memref_slice %arg3[%mul3A_4] : memref<640000xi32, #tpu.memory_space<hbm>> -> memref<10000xi32, #tpu.memory_space<hbm>>
    tpu.wait_dma2 semaphore(%arg9 : memref<!tpu.dma_semaphore, #tpu.memory_space<semaphore_mem>>) src(%dma_wait3A_19 : memref<10000xi32, #tpu.memory_space<hbm>>) dst(%arg5 : memref<10000xi32, #tpu.memory_space<vmem>>)
    %dma_wait3A_20 = tpu.memref_slice %arg3[%add3A_11] : memref<640000xi32, #tpu.memory_space<hbm>> -> memref<10000xi32, #tpu.memory_space<hbm>>
    %dma_wait3A_21 = tpu.memref_slice %arg3[%add3A_11] : memref<640000xi32, #tpu.memory_space<hbm>> -> memref<10000xi32, #tpu.memory_space<hbm>>
    tpu.wait_dma2 semaphore(%arg10 : memref<!tpu.dma_semaphore, #tpu.memory_space<semaphore_mem>>) src(%dma_wait3A_21 : memref<10000xi32, #tpu.memory_space<hbm>>) dst(%arg6 : memref<10000xi32, #tpu.memory_space<vmem>>)
    tpu.wait_dma2 semaphore(%arg11 : memref<!tpu.dma_semaphore, #tpu.memory_space<semaphore_mem>>) src(%arg2 : memref<20000xf32, #tpu.memory_space<hbm>>) dst(%arg7 : memref<20000xf32, #tpu.memory_space<vmem>>)
    %scan3A_22 = arith.constant 0 : i32
    %scan3A_23 = arith.constant 312 : i32
    %scan3A_24 = arith.addi %scan3A_22, %scan3A_23 : i32
    %scan3A_25 = arith.constant 1 : i32
    scf.for %scan3A_39 = %scan3A_22 to %scan3A_24 step %scan3A_25  : i32 {
      %mul3A_40 = arith.constant 32 : i32
      %mul3A_41 = arith.muli %scan3A_39, %mul3A_40 : i32
      %add3A_42 = arith.constant 0 : i32
      %add3A_43 = arith.addi %add3A_42, %mul3A_41 : i32
      %get3A_44 = arith.index_cast %add3A_43 : i32 to index
      %get3A_45 = tpu.vector_load %arg5[%get3A_44] {strides = array<i32>} : memref<10000xi32, #tpu.memory_space<vmem>>, vector<16xi32>,
      %get3A_46 = arith.index_cast %add3A_43 : i32 to index
      %get3A_47 = tpu.vector_load %arg6[%get3A_46] {strides = array<i32>} : memref<10000xi32, #tpu.memory_space<vmem>>, vector<16xi32>,
      %add3A_48 = arith.constant 16 : i32
      %add3A_49 = arith.addi %add3A_43, %add3A_48 : i32
      %get3A_50 = arith.index_cast %add3A_49 : i32 to index
      %get3A_51 = tpu.vector_load %arg5[%get3A_50] {strides = array<i32>} : memref<10000xi32, #tpu.memory_space<vmem>>, vector<16xi32>,
      %add3A_52 = arith.constant 16 : i32
      %add3A_53 = arith.addi %add3A_43, %add3A_52 : i32
      %get3A_54 = arith.index_cast %add3A_53 : i32 to index
      %get3A_55 = tpu.vector_load %arg6[%get3A_54] {strides = array<i32>} : memref<10000xi32, #tpu.memory_space<vmem>>, vector<16xi32>,
      %gather3A_56 = tpu.vector_load_idx %arg7[%get3A_45] : memref<20000xf32, #tpu.memory_space<vmem>>[vector<16xi32>], vector<16xf32>,
      %add3A_57 = arith.constant 10000 : i32
      %add3A_58 = vector.broadcast %add3A_57 : i32 to vector<16xi32>
      %add3A_59 = arith.addi %get3A_45, %add3A_58 : vector<16xi32>
      %gather3A_60 = tpu.vector_load_idx %arg7[%add3A_59] : memref<20000xf32, #tpu.memory_space<vmem>>[vector<16xi32>], vector<16xf32>,
      %add3A_61 = arith.constant 10000 : i32
      %add3A_62 = vector.broadcast %add3A_61 : i32 to vector<16xi32>
      %add3A_63 = arith.addi %get3A_47, %add3A_62 : vector<16xi32>
      tpu.vector_store_idx %arg8[%get3A_47], %gather3A_56 {add = true} : memref<20000xf32, #tpu.memory_space<vmem>>[vector<16xi32>], vector<16xf32>,
      tpu.vector_store_idx %arg8[%add3A_63], %gather3A_60 {add = true} : memref<20000xf32, #tpu.memory_space<vmem>>[vector<16xi32>], vector<16xf32>,
      %gather3A_64 = tpu.vector_load_idx %arg7[%get3A_51] : memref<20000xf32, #tpu.memory_space<vmem>>[vector<16xi32>], vector<16xf32>,
      %add3A_65 = arith.constant 10000 : i32
      %add3A_66 = vector.broadcast %add3A_65 : i32 to vector<16xi32>
      %add3A_67 = arith.addi %get3A_51, %add3A_66 : vector<16xi32>
      %gather3A_68 = tpu.vector_load_idx %arg7[%add3A_67] : memref<20000xf32, #tpu.memory_space<vmem>>[vector<16xi32>], vector<16xf32>,
      %add3A_69 = arith.constant 10000 : i32
      %add3A_70 = vector.broadcast %add3A_69 : i32 to vector<16xi32>
      %add3A_71 = arith.addi %get3A_55, %add3A_70 : vector<16xi32>
      tpu.vector_store_idx %arg8[%get3A_55], %gather3A_64 {add = true} : memref<20000xf32, #tpu.memory_space<vmem>>[vector<16xi32>], vector<16xf32>,
      tpu.vector_store_idx %arg8[%add3A_71], %gather3A_68 {add = true} : memref<20000xf32, #tpu.memory_space<vmem>>[vector<16xi32>], vector<16xf32>,
    }
    %scan3A_26 = arith.constant 312 : i32
    %get3A = arith.constant 9984 : index
    %get3A_27 = tpu.vector_load %arg5[%get3A] {strides = array<i32>} : memref<10000xi32, #tpu.memory_space<vmem>>, vector<16xi32>,
    %get3A_28 = arith.constant 9984 : index
    %get3A_29 = tpu.vector_load %arg6[%get3A_28] {strides = array<i32>} : memref<10000xi32, #tpu.memory_space<vmem>>, vector<16xi32>,
    %gather3A = tpu.vector_load_idx %arg7[%get3A_27] : memref<20000xf32, #tpu.memory_space<vmem>>[vector<16xi32>], vector<16xf32>,
    %add3A_30 = arith.constant 10000 : i32
    %add3A_31 = vector.broadcast %add3A_30 : i32 to vector<16xi32>
    %add3A_32 = arith.addi %get3A_27, %add3A_31 : vector<16xi32>
    %gather3A_33 = tpu.vector_load_idx %arg7[%add3A_32] : memref<20000xf32, #tpu.memory_space<vmem>>[vector<16xi32>], vector<16xf32>,
    %add3A_34 = arith.constant 10000 : i32
    %add3A_35 = vector.broadcast %add3A_34 : i32 to vector<16xi32>
    %add3A_36 = arith.addi %get3A_29, %add3A_35 : vector<16xi32>
    tpu.vector_store_idx %arg8[%get3A_29], %gather3A {add = true} : memref<20000xf32, #tpu.memory_space<vmem>>[vector<16xi32>], vector<16xf32>,
    tpu.vector_store_idx %arg8[%add3A_36], %gather3A_33 {add = true} : memref<20000xf32, #tpu.memory_space<vmem>>[vector<16xi32>], vector<16xf32>,
    %mul3A_37 = arith.constant 20096 : i32
    %mul3A_38 = arith.muli %add3A, %mul3A_37 : i32
    "tpu.region"() ({
      %run_scoped3A = tpu.sem_alloc : memref<!tpu.dma_semaphore, #tpu.memory_space<semaphore_mem>>
      %dma_start3A_39 = tpu.memref_slice %arg4[%mul3A_38] : memref<643072xf32, #tpu.memory_space<hbm>> -> memref<20000xf32, #tpu.memory_space<hbm>>
      %dma_start3A_40 = tpu.memref_slice %arg4[%mul3A_38] : memref<643072xf32, #tpu.memory_space<hbm>> -> memref<20000xf32, #tpu.memory_space<hbm>>
      tpu.enqueue_dma source(%arg8 : memref<20000xf32, #tpu.memory_space<vmem>>) target(%dma_start3A_40 : memref<20000xf32, #tpu.memory_space<hbm>>) target_semaphore(%run_scoped3A : memref<!tpu.dma_semaphore, #tpu.memory_space<semaphore_mem>>)
      %dma_wait3A_41 = tpu.memref_slice %arg4[%mul3A_38] : memref<643072xf32, #tpu.memory_space<hbm>> -> memref<20000xf32, #tpu.memory_space<hbm>>
      %dma_wait3A_42 = tpu.memref_slice %arg4[%mul3A_38] : memref<643072xf32, #tpu.memory_space<hbm>> -> memref<20000xf32, #tpu.memory_space<hbm>>
      tpu.wait_dma2 semaphore(%run_scoped3A : memref<!tpu.dma_semaphore, #tpu.memory_space<semaphore_mem>>) src(%arg8 : memref<20000xf32, #tpu.memory_space<vmem>>) dst(%dma_wait3A_42 : memref<20000xf32, #tpu.memory_space<hbm>>)
      tpu.yield
    }) : () -> ()
    return
  }
}

#map = affine_map<(d0, d1) -> (0, 0)>
#map1 = affine_map<(d0, d1) -> (0)>
module attributes {stable_mosaic.version = 14 : i64} {
  func.func @deg_kernel(%arg0: i32, %arg1: i32, %arg2: memref<2x320000xi32, #tpu.memory_space<hbm>>, %arg3: memref<323584xf32, #tpu.memory_space<hbm>>, %arg4: memref<640000xi32, #tpu.memory_space<hbm>>, %arg5: memref<10000xi32, #tpu.memory_space<vmem>>, %arg6: memref<10000xi32, #tpu.memory_space<vmem>>, %arg7: memref<10000xf32, #tpu.memory_space<vmem>>, %arg8: memref<!tpu.dma_semaphore, #tpu.memory_space<semaphore_mem>>, %arg9: memref<!tpu.dma_semaphore, #tpu.memory_space<semaphore_mem>>) attributes {dimension_semantics = [#tpu.dimension_semantics<core_parallel>, #tpu.dimension_semantics<subcore_parallel>], iteration_bounds = array<i64: 2, 16>, scalar_prefetch = 0 : i64, scratch_operands = 5 : i64, tpu.core_type = #tpu.core_type<sc_vector_subcore>, window_params = [{transform_indices = #map}, {transform_indices = #map1}, {transform_indices = #map1}]} {
    %mul3A = arith.constant 2 : i32
    %mul3A_0 = arith.muli %arg1, %mul3A : i32
    %add3A = arith.addi %mul3A_0, %arg0 : i32
    %mul3A_1 = arith.constant 10000 : i32
    %mul3A_2 = arith.muli %add3A, %mul3A_1 : i32
    %dma_start3A = arith.constant 1 : i32
    %dma_start3A_3 = tpu.memref_slice %arg2[%dma_start3A, %mul3A_2] : memref<2x320000xi32, #tpu.memory_space<hbm>> -> memref<1x10000xi32, #tpu.memory_space<hbm>>
    %dma_start3A_4 = tpu.memref_squeeze %dma_start3A_3 : memref<1x10000xi32, #tpu.memory_space<hbm>> -> memref<10000xi32, #tpu.memory_space<hbm>>
    %dma_start3A_5 = tpu.memref_slice %arg2[%dma_start3A, %mul3A_2] : memref<2x320000xi32, #tpu.memory_space<hbm>> -> memref<1x10000xi32, #tpu.memory_space<hbm>>
    %dma_start3A_6 = tpu.memref_squeeze %dma_start3A_5 : memref<1x10000xi32, #tpu.memory_space<hbm>> -> memref<10000xi32, #tpu.memory_space<hbm>>
    tpu.enqueue_dma source(%dma_start3A_6 : memref<10000xi32, #tpu.memory_space<hbm>>) target(%arg6 : memref<10000xi32, #tpu.memory_space<vmem>>) target_semaphore(%arg9 : memref<!tpu.dma_semaphore, #tpu.memory_space<semaphore_mem>>)
    %mul3A_7 = arith.constant 10000 : i32
    %mul3A_8 = arith.muli %add3A, %mul3A_7 : i32
    %dma_start3A_9 = arith.constant 0 : i32
    %dma_start3A_10 = tpu.memref_slice %arg2[%dma_start3A_9, %mul3A_8] : memref<2x320000xi32, #tpu.memory_space<hbm>> -> memref<1x10000xi32, #tpu.memory_space<hbm>>
    %dma_start3A_11 = tpu.memref_squeeze %dma_start3A_10 : memref<1x10000xi32, #tpu.memory_space<hbm>> -> memref<10000xi32, #tpu.memory_space<hbm>>
    %dma_start3A_12 = tpu.memref_slice %arg2[%dma_start3A_9, %mul3A_8] : memref<2x320000xi32, #tpu.memory_space<hbm>> -> memref<1x10000xi32, #tpu.memory_space<hbm>>
    %dma_start3A_13 = tpu.memref_squeeze %dma_start3A_12 : memref<1x10000xi32, #tpu.memory_space<hbm>> -> memref<10000xi32, #tpu.memory_space<hbm>>
    tpu.enqueue_dma source(%dma_start3A_13 : memref<10000xi32, #tpu.memory_space<hbm>>) target(%arg5 : memref<10000xi32, #tpu.memory_space<vmem>>) target_semaphore(%arg8 : memref<!tpu.dma_semaphore, #tpu.memory_space<semaphore_mem>>)
    %broadcast_in_dim3A = arith.constant 0.000000e+00 : f32
    %broadcast_in_dim3A_14 = vector.broadcast %broadcast_in_dim3A : f32 to vector<16xf32>
    %scan3A = arith.constant 0 : i32
    %scan3A_15 = arith.constant 125 : i32
    %scan3A_16 = arith.addi %scan3A, %scan3A_15 : i32
    %scan3A_17 = arith.constant 1 : i32
    scf.for %scan3A_52 = %scan3A to %scan3A_16 step %scan3A_17  : i32 {
      %mul3A_53 = arith.constant 80 : i32
      %mul3A_54 = arith.muli %scan3A_52, %mul3A_53 : i32
      %add3A_55 = arith.constant 0 : i32
      %add3A_56 = arith.addi %add3A_55, %mul3A_54 : i32
      %add3A_57 = arith.constant 0 : i32
      %add3A_58 = arith.addi %add3A_56, %add3A_57 : i32
      %swap3A = arith.index_cast %add3A_58 : i32 to index
      %swap3A_59 = tpu.vector_load %arg7[%swap3A] {strides = array<i32>} : memref<10000xf32, #tpu.memory_space<vmem>>, vector<16xf32>,
      tpu.vector_store %arg7[%swap3A], %broadcast_in_dim3A_14 {strides = array<i32>} : memref<10000xf32, #tpu.memory_space<vmem>>, vector<16xf32>,
      %add3A_60 = arith.constant 16 : i32
      %add3A_61 = arith.addi %add3A_56, %add3A_60 : i32
      %swap3A_62 = arith.index_cast %add3A_61 : i32 to index
      %swap3A_63 = tpu.vector_load %arg7[%swap3A_62] {strides = array<i32>} : memref<10000xf32, #tpu.memory_space<vmem>>, vector<16xf32>,
      tpu.vector_store %arg7[%swap3A_62], %broadcast_in_dim3A_14 {strides = array<i32>} : memref<10000xf32, #tpu.memory_space<vmem>>, vector<16xf32>,
      %add3A_64 = arith.constant 32 : i32
      %add3A_65 = arith.addi %add3A_56, %add3A_64 : i32
      %swap3A_66 = arith.index_cast %add3A_65 : i32 to index
      %swap3A_67 = tpu.vector_load %arg7[%swap3A_66] {strides = array<i32>} : memref<10000xf32, #tpu.memory_space<vmem>>, vector<16xf32>,
      tpu.vector_store %arg7[%swap3A_66], %broadcast_in_dim3A_14 {strides = array<i32>} : memref<10000xf32, #tpu.memory_space<vmem>>, vector<16xf32>,
      %add3A_68 = arith.constant 48 : i32
      %add3A_69 = arith.addi %add3A_56, %add3A_68 : i32
      %swap3A_70 = arith.index_cast %add3A_69 : i32 to index
      %swap3A_71 = tpu.vector_load %arg7[%swap3A_70] {strides = array<i32>} : memref<10000xf32, #tpu.memory_space<vmem>>, vector<16xf32>,
      tpu.vector_store %arg7[%swap3A_70], %broadcast_in_dim3A_14 {strides = array<i32>} : memref<10000xf32, #tpu.memory_space<vmem>>, vector<16xf32>,
      %add3A_72 = arith.constant 64 : i32
      %add3A_73 = arith.addi %add3A_56, %add3A_72 : i32
      %swap3A_74 = arith.index_cast %add3A_73 : i32 to index
      %swap3A_75 = tpu.vector_load %arg7[%swap3A_74] {strides = array<i32>} : memref<10000xf32, #tpu.memory_space<vmem>>, vector<16xf32>,
      tpu.vector_store %arg7[%swap3A_74], %broadcast_in_dim3A_14 {strides = array<i32>} : memref<10000xf32, #tpu.memory_space<vmem>>, vector<16xf32>,
    }
    %scan3A_18 = arith.constant 125 : i32
    %dma_wait3A = arith.constant 1 : i32
    %dma_wait3A_19 = tpu.memref_slice %arg2[%dma_wait3A, %mul3A_2] : memref<2x320000xi32, #tpu.memory_space<hbm>> -> memref<1x10000xi32, #tpu.memory_space<hbm>>
    %dma_wait3A_20 = tpu.memref_squeeze %dma_wait3A_19 : memref<1x10000xi32, #tpu.memory_space<hbm>> -> memref<10000xi32, #tpu.memory_space<hbm>>
    %dma_wait3A_21 = tpu.memref_slice %arg2[%dma_wait3A, %mul3A_2] : memref<2x320000xi32, #tpu.memory_space<hbm>> -> memref<1x10000xi32, #tpu.memory_space<hbm>>
    %dma_wait3A_22 = tpu.memref_squeeze %dma_wait3A_21 : memref<1x10000xi32, #tpu.memory_space<hbm>> -> memref<10000xi32, #tpu.memory_space<hbm>>
    tpu.wait_dma2 semaphore(%arg9 : memref<!tpu.dma_semaphore, #tpu.memory_space<semaphore_mem>>) src(%dma_wait3A_22 : memref<10000xi32, #tpu.memory_space<hbm>>) dst(%arg6 : memref<10000xi32, #tpu.memory_space<vmem>>)
    %dma_wait3A_23 = arith.constant 0 : i32
    %dma_wait3A_24 = tpu.memref_slice %arg2[%dma_wait3A_23, %mul3A_8] : memref<2x320000xi32, #tpu.memory_space<hbm>> -> memref<1x10000xi32, #tpu.memory_space<hbm>>
    %dma_wait3A_25 = tpu.memref_squeeze %dma_wait3A_24 : memref<1x10000xi32, #tpu.memory_space<hbm>> -> memref<10000xi32, #tpu.memory_space<hbm>>
    %dma_wait3A_26 = tpu.memref_slice %arg2[%dma_wait3A_23, %mul3A_8] : memref<2x320000xi32, #tpu.memory_space<hbm>> -> memref<1x10000xi32, #tpu.memory_space<hbm>>
    %dma_wait3A_27 = tpu.memref_squeeze %dma_wait3A_26 : memref<1x10000xi32, #tpu.memory_space<hbm>> -> memref<10000xi32, #tpu.memory_space<hbm>>
    tpu.wait_dma2 semaphore(%arg8 : memref<!tpu.dma_semaphore, #tpu.memory_space<semaphore_mem>>) src(%dma_wait3A_27 : memref<10000xi32, #tpu.memory_space<hbm>>) dst(%arg5 : memref<10000xi32, #tpu.memory_space<vmem>>)
    %mul3A_28 = arith.constant 2 : i32
    %mul3A_29 = arith.muli %add3A, %mul3A_28 : i32
    %mul3A_30 = arith.constant 10000 : i32
    %mul3A_31 = arith.muli %mul3A_29, %mul3A_30 : i32
    %dma_start3A_32 = tpu.memref_slice %arg4[%mul3A_31] : memref<640000xi32, #tpu.memory_space<hbm>> -> memref<10000xi32, #tpu.memory_space<hbm>>
    %dma_start3A_33 = tpu.memref_slice %arg4[%mul3A_31] : memref<640000xi32, #tpu.memory_space<hbm>> -> memref<10000xi32, #tpu.memory_space<hbm>>
    tpu.enqueue_dma source(%arg5 : memref<10000xi32, #tpu.memory_space<vmem>>) target(%dma_start3A_33 : memref<10000xi32, #tpu.memory_space<hbm>>) target_semaphore(%arg8 : memref<!tpu.dma_semaphore, #tpu.memory_space<semaphore_mem>>)
    %broadcast_in_dim3A_34 = arith.constant 1.000000e+00 : f32
    %broadcast_in_dim3A_35 = vector.broadcast %broadcast_in_dim3A_34 : f32 to vector<16xf32>
    %scan3A_36 = arith.constant 0 : i32
    %scan3A_37 = arith.constant 312 : i32
    %scan3A_38 = arith.addi %scan3A_36, %scan3A_37 : i32
    %scan3A_39 = arith.constant 1 : i32
    scf.for %scan3A_52 = %scan3A_36 to %scan3A_38 step %scan3A_39  : i32 {
      %mul3A_53 = arith.constant 32 : i32
      %mul3A_54 = arith.muli %scan3A_52, %mul3A_53 : i32
      %add3A_55 = arith.constant 0 : i32
      %add3A_56 = arith.addi %add3A_55, %mul3A_54 : i32
      %get3A_57 = arith.index_cast %add3A_56 : i32 to index
      %get3A_58 = tpu.vector_load %arg6[%get3A_57] {strides = array<i32>} : memref<10000xi32, #tpu.memory_space<vmem>>, vector<16xi32>,
      %add3A_59 = arith.constant 16 : i32
      %add3A_60 = arith.addi %add3A_56, %add3A_59 : i32
      %get3A_61 = arith.index_cast %add3A_60 : i32 to index
      %get3A_62 = tpu.vector_load %arg6[%get3A_61] {strides = array<i32>} : memref<10000xi32, #tpu.memory_space<vmem>>, vector<16xi32>,
      tpu.vector_store_idx %arg7[%get3A_58], %broadcast_in_dim3A_35 {add = true} : memref<10000xf32, #tpu.memory_space<vmem>>[vector<16xi32>], vector<16xf32>,
      tpu.vector_store_idx %arg7[%get3A_62], %broadcast_in_dim3A_35 {add = true} : memref<10000xf32, #tpu.memory_space<vmem>>[vector<16xi32>], vector<16xf32>,
    }
    %scan3A_40 = arith.constant 312 : i32
    %get3A = arith.constant 9984 : index
    %get3A_41 = tpu.vector_load %arg6[%get3A] {strides = array<i32>} : memref<10000xi32, #tpu.memory_space<vmem>>, vector<16xi32>,
    tpu.vector_store_idx %arg7[%get3A_41], %broadcast_in_dim3A_35 {add = true} : memref<10000xf32, #tpu.memory_space<vmem>>[vector<16xi32>], vector<16xf32>,
    %dma_wait3A_42 = tpu.memref_slice %arg4[%mul3A_31] : memref<640000xi32, #tpu.memory_space<hbm>> -> memref<10000xi32, #tpu.memory_space<hbm>>
    %dma_wait3A_43 = tpu.memref_slice %arg4[%mul3A_31] : memref<640000xi32, #tpu.memory_space<hbm>> -> memref<10000xi32, #tpu.memory_space<hbm>>
    tpu.wait_dma2 semaphore(%arg8 : memref<!tpu.dma_semaphore, #tpu.memory_space<semaphore_mem>>) src(%arg5 : memref<10000xi32, #tpu.memory_space<vmem>>) dst(%dma_wait3A_43 : memref<10000xi32, #tpu.memory_space<hbm>>)
    %mul3A_44 = arith.constant 2 : i32
    %mul3A_45 = arith.muli %add3A, %mul3A_44 : i32
    %mul3A_46 = arith.constant 10000 : i32
    %mul3A_47 = arith.muli %mul3A_45, %mul3A_46 : i32
    %add3A_48 = arith.constant 10000 : i32
    %add3A_49 = arith.addi %mul3A_47, %add3A_48 : i32
    "tpu.region"() ({
      %run_scoped3A = tpu.sem_alloc : memref<!tpu.dma_semaphore, #tpu.memory_space<semaphore_mem>>
      %dma_start3A_52 = tpu.memref_slice %arg4[%add3A_49] : memref<640000xi32, #tpu.memory_space<hbm>> -> memref<10000xi32, #tpu.memory_space<hbm>>
      %dma_start3A_53 = tpu.memref_slice %arg4[%add3A_49] : memref<640000xi32, #tpu.memory_space<hbm>> -> memref<10000xi32, #tpu.memory_space<hbm>>
      tpu.enqueue_dma source(%arg6 : memref<10000xi32, #tpu.memory_space<vmem>>) target(%dma_start3A_53 : memref<10000xi32, #tpu.memory_space<hbm>>) target_semaphore(%run_scoped3A : memref<!tpu.dma_semaphore, #tpu.memory_space<semaphore_mem>>)
      %dma_wait3A_54 = tpu.memref_slice %arg4[%add3A_49] : memref<640000xi32, #tpu.memory_space<hbm>> -> memref<10000xi32, #tpu.memory_space<hbm>>
      %dma_wait3A_55 = tpu.memref_slice %arg4[%add3A_49] : memref<640000xi32, #tpu.memory_space<hbm>> -> memref<10000xi32, #tpu.memory_space<hbm>>
      tpu.wait_dma2 semaphore(%run_scoped3A : memref<!tpu.dma_semaphore, #tpu.memory_space<semaphore_mem>>) src(%arg6 : memref<10000xi32, #tpu.memory_space<vmem>>) dst(%dma_wait3A_55 : memref<10000xi32, #tpu.memory_space<hbm>>)
      tpu.yield
    }) : () -> ()
    %mul3A_50 = arith.constant 10112 : i32
    %mul3A_51 = arith.muli %add3A, %mul3A_50 : i32
    "tpu.region"() ({
      %run_scoped3A = tpu.sem_alloc : memref<!tpu.dma_semaphore, #tpu.memory_space<semaphore_mem>>
      %dma_start3A_52 = tpu.memref_slice %arg3[%mul3A_51] : memref<323584xf32, #tpu.memory_space<hbm>> -> memref<10000xf32, #tpu.memory_space<hbm>>
      %dma_start3A_53 = tpu.memref_slice %arg3[%mul3A_51] : memref<323584xf32, #tpu.memory_space<hbm>> -> memref<10000xf32, #tpu.memory_space<hbm>>
      tpu.enqueue_dma source(%arg7 : memref<10000xf32, #tpu.memory_space<vmem>>) target(%dma_start3A_53 : memref<10000xf32, #tpu.memory_space<hbm>>) target_semaphore(%run_scoped3A : memref<!tpu.dma_semaphore, #tpu.memory_space<semaphore_mem>>)
      %dma_wait3A_54 = tpu.memref_slice %arg3[%mul3A_51] : memref<323584xf32, #tpu.memory_space<hbm>> -> memref<10000xf32, #tpu.memory_space<hbm>>
      %dma_wait3A_55 = tpu.memref_slice %arg3[%mul3A_51] : memref<323584xf32, #tpu.memory_space<hbm>> -> memref<10000xf32, #tpu.memory_space<hbm>>
      tpu.wait_dma2 semaphore(%run_scoped3A : memref<!tpu.dma_semaphore, #tpu.memory_space<semaphore_mem>>) src(%arg7 : memref<10000xf32, #tpu.memory_space<vmem>>) dst(%dma_wait3A_55 : memref<10000xf32, #tpu.memory_space<hbm>>)
      tpu.yield
    }) : () -> ()
    return
  }
}

#map = affine_map<(d0, d1) -> (0)>
module attributes {stable_mosaic.version = 14 : i64} {
  func.func @agg_kernel(%arg0: i32, %arg1: i32, %arg2: memref<40000xf32, #tpu.memory_space<hbm>>, %arg3: memref<640000xi32, #tpu.memory_space<hbm>>, %arg4: memref<1282048xf32, #tpu.memory_space<hbm>>, %arg5: memref<10000xi32, #tpu.memory_space<vmem>>, %arg6: memref<10000xi32, #tpu.memory_space<vmem>>, %arg7: memref<40000xf32, #tpu.memory_space<vmem>>, %arg8: memref<40000xf32, #tpu.memory_space<vmem>>, %arg9: memref<!tpu.dma_semaphore, #tpu.memory_space<semaphore_mem>>, %arg10: memref<!tpu.dma_semaphore, #tpu.memory_space<semaphore_mem>>, %arg11: memref<!tpu.dma_semaphore, #tpu.memory_space<semaphore_mem>>) attributes {dimension_semantics = [#tpu.dimension_semantics<core_parallel>, #tpu.dimension_semantics<subcore_parallel>], iteration_bounds = array<i64: 2, 16>, scalar_prefetch = 0 : i64, scratch_operands = 7 : i64, tpu.core_type = #tpu.core_type<sc_vector_subcore>, window_params = [{transform_indices = #map}, {transform_indices = #map}, {transform_indices = #map}]} {
    %mul3A = arith.constant 2 : i32
    %mul3A_0 = arith.muli %arg1, %mul3A : i32
    %add3A = arith.addi %mul3A_0, %arg0 : i32
    %mul3A_1 = arith.constant 2 : i32
    %mul3A_2 = arith.muli %add3A, %mul3A_1 : i32
    %mul3A_3 = arith.constant 10000 : i32
    %mul3A_4 = arith.muli %mul3A_2, %mul3A_3 : i32
    %dma_start3A = tpu.memref_slice %arg3[%mul3A_4] : memref<640000xi32, #tpu.memory_space<hbm>> -> memref<10000xi32, #tpu.memory_space<hbm>>
    %dma_start3A_5 = tpu.memref_slice %arg3[%mul3A_4] : memref<640000xi32, #tpu.memory_space<hbm>> -> memref<10000xi32, #tpu.memory_space<hbm>>
    tpu.enqueue_dma source(%dma_start3A_5 : memref<10000xi32, #tpu.memory_space<hbm>>) target(%arg5 : memref<10000xi32, #tpu.memory_space<vmem>>) target_semaphore(%arg9 : memref<!tpu.dma_semaphore, #tpu.memory_space<semaphore_mem>>)
    %mul3A_6 = arith.constant 2 : i32
    %mul3A_7 = arith.muli %add3A, %mul3A_6 : i32
    %mul3A_8 = arith.constant 10000 : i32
    %mul3A_9 = arith.muli %mul3A_7, %mul3A_8 : i32
    %add3A_10 = arith.constant 10000 : i32
    %add3A_11 = arith.addi %mul3A_9, %add3A_10 : i32
    %dma_start3A_12 = tpu.memref_slice %arg3[%add3A_11] : memref<640000xi32, #tpu.memory_space<hbm>> -> memref<10000xi32, #tpu.memory_space<hbm>>
    %dma_start3A_13 = tpu.memref_slice %arg3[%add3A_11] : memref<640000xi32, #tpu.memory_space<hbm>> -> memref<10000xi32, #tpu.memory_space<hbm>>
    tpu.enqueue_dma source(%dma_start3A_13 : memref<10000xi32, #tpu.memory_space<hbm>>) target(%arg6 : memref<10000xi32, #tpu.memory_space<vmem>>) target_semaphore(%arg10 : memref<!tpu.dma_semaphore, #tpu.memory_space<semaphore_mem>>)
    tpu.enqueue_dma source(%arg2 : memref<40000xf32, #tpu.memory_space<hbm>>) target(%arg7 : memref<40000xf32, #tpu.memory_space<vmem>>) target_semaphore(%arg11 : memref<!tpu.dma_semaphore, #tpu.memory_space<semaphore_mem>>)
    %broadcast_in_dim3A = arith.constant 0.000000e+00 : f32
    %broadcast_in_dim3A_14 = vector.broadcast %broadcast_in_dim3A : f32 to vector<16xf32>
    %scan3A = arith.constant 0 : i32
    %scan3A_15 = arith.constant 250 : i32
    %scan3A_16 = arith.addi %scan3A, %scan3A_15 : i32
    %scan3A_17 = arith.constant 1 : i32
    scf.for %scan3A_53 = %scan3A to %scan3A_16 step %scan3A_17  : i32 {
      %mul3A_54 = arith.constant 160 : i32
      %mul3A_55 = arith.muli %scan3A_53, %mul3A_54 : i32
      %add3A_56 = arith.constant 0 : i32
      %add3A_57 = arith.addi %add3A_56, %mul3A_55 : i32
      %add3A_58 = arith.constant 0 : i32
      %add3A_59 = arith.addi %add3A_57, %add3A_58 : i32
      %swap3A = arith.index_cast %add3A_59 : i32 to index
      %swap3A_60 = tpu.vector_load %arg8[%swap3A] {strides = array<i32>} : memref<40000xf32, #tpu.memory_space<vmem>>, vector<16xf32>,
      tpu.vector_store %arg8[%swap3A], %broadcast_in_dim3A_14 {strides = array<i32>} : memref<40000xf32, #tpu.memory_space<vmem>>, vector<16xf32>,
      %add3A_61 = arith.constant 16 : i32
      %add3A_62 = arith.addi %add3A_57, %add3A_61 : i32
      %swap3A_63 = arith.index_cast %add3A_62 : i32 to index
      %swap3A_64 = tpu.vector_load %arg8[%swap3A_63] {strides = array<i32>} : memref<40000xf32, #tpu.memory_space<vmem>>, vector<16xf32>,
      tpu.vector_store %arg8[%swap3A_63], %broadcast_in_dim3A_14 {strides = array<i32>} : memref<40000xf32, #tpu.memory_space<vmem>>, vector<16xf32>,
      %add3A_65 = arith.constant 32 : i32
      %add3A_66 = arith.addi %add3A_57, %add3A_65 : i32
      %swap3A_67 = arith.index_cast %add3A_66 : i32 to index
      %swap3A_68 = tpu.vector_load %arg8[%swap3A_67] {strides = array<i32>} : memref<40000xf32, #tpu.memory_space<vmem>>, vector<16xf32>,
      tpu.vector_store %arg8[%swap3A_67], %broadcast_in_dim3A_14 {strides = array<i32>} : memref<40000xf32, #tpu.memory_space<vmem>>, vector<16xf32>,
      %add3A_69 = arith.constant 48 : i32
      %add3A_70 = arith.addi %add3A_57, %add3A_69 : i32
      %swap3A_71 = arith.index_cast %add3A_70 : i32 to index
      %swap3A_72 = tpu.vector_load %arg8[%swap3A_71] {strides = array<i32>} : memref<40000xf32, #tpu.memory_space<vmem>>, vector<16xf32>,
      tpu.vector_store %arg8[%swap3A_71], %broadcast_in_dim3A_14 {strides = array<i32>} : memref<40000xf32, #tpu.memory_space<vmem>>, vector<16xf32>,
      %add3A_73 = arith.constant 64 : i32
      %add3A_74 = arith.addi %add3A_57, %add3A_73 : i32
      %swap3A_75 = arith.index_cast %add3A_74 : i32 to index
      %swap3A_76 = tpu.vector_load %arg8[%swap3A_75] {strides = array<i32>} : memref<40000xf32, #tpu.memory_space<vmem>>, vector<16xf32>,
      tpu.vector_store %arg8[%swap3A_75], %broadcast_in_dim3A_14 {strides = array<i32>} : memref<40000xf32, #tpu.memory_space<vmem>>, vector<16xf32>,
      %add3A_77 = arith.constant 80 : i32
      %add3A_78 = arith.addi %add3A_57, %add3A_77 : i32
      %swap3A_79 = arith.index_cast %add3A_78 : i32 to index
      %swap3A_80 = tpu.vector_load %arg8[%swap3A_79] {strides = array<i32>} : memref<40000xf32, #tpu.memory_space<vmem>>, vector<16xf32>,
      tpu.vector_store %arg8[%swap3A_79], %broadcast_in_dim3A_14 {strides = array<i32>} : memref<40000xf32, #tpu.memory_space<vmem>>, vector<16xf32>,
      %add3A_81 = arith.constant 96 : i32
      %add3A_82 = arith.addi %add3A_57, %add3A_81 : i32
      %swap3A_83 = arith.index_cast %add3A_82 : i32 to index
      %swap3A_84 = tpu.vector_load %arg8[%swap3A_83] {strides = array<i32>} : memref<40000xf32, #tpu.memory_space<vmem>>, vector<16xf32>,
      tpu.vector_store %arg8[%swap3A_83], %broadcast_in_dim3A_14 {strides = array<i32>} : memref<40000xf32, #tpu.memory_space<vmem>>, vector<16xf32>,
      %add3A_85 = arith.constant 112 : i32
      %add3A_86 = arith.addi %add3A_57, %add3A_85 : i32
      %swap3A_87 = arith.index_cast %add3A_86 : i32 to index
      %swap3A_88 = tpu.vector_load %arg8[%swap3A_87] {strides = array<i32>} : memref<40000xf32, #tpu.memory_space<vmem>>, vector<16xf32>,
      tpu.vector_store %arg8[%swap3A_87], %broadcast_in_dim3A_14 {strides = array<i32>} : memref<40000xf32, #tpu.memory_space<vmem>>, vector<16xf32>,
      %add3A_89 = arith.constant 128 : i32
      %add3A_90 = arith.addi %add3A_57, %add3A_89 : i32
      %swap3A_91 = arith.index_cast %add3A_90 : i32 to index
      %swap3A_92 = tpu.vector_load %arg8[%swap3A_91] {strides = array<i32>} : memref<40000xf32, #tpu.memory_space<vmem>>, vector<16xf32>,
      tpu.vector_store %arg8[%swap3A_91], %broadcast_in_dim3A_14 {strides = array<i32>} : memref<40000xf32, #tpu.memory_space<vmem>>, vector<16xf32>,
      %add3A_93 = arith.constant 144 : i32
      %add3A_94 = arith.addi %add3A_57, %add3A_93 : i32
      %swap3A_95 = arith.index_cast %add3A_94 : i32 to index
      %swap3A_96 = tpu.vector_load %arg8[%swap3A_95] {strides = array<i32>} : memref<40000xf32, #tpu.memory_space<vmem>>, vector<16xf32>,
      tpu.vector_store %arg8[%swap3A_95], %broadcast_in_dim3A_14 {strides = array<i32>} : memref<40000xf32, #tpu.memory_space<vmem>>, vector<16xf32>,
    }
    %scan3A_18 = arith.constant 250 : i32
    %dma_wait3A = tpu.memref_slice %arg3[%mul3A_4] : memref<640000xi32, #tpu.memory_space<hbm>> -> memref<10000xi32, #tpu.memory_space<hbm>>
    %dma_wait3A_19 = tpu.memref_slice %arg3[%mul3A_4] : memref<640000xi32, #tpu.memory_space<hbm>> -> memref<10000xi32, #tpu.memory_space<hbm>>
    tpu.wait_dma2 semaphore(%arg9 : memref<!tpu.dma_semaphore, #tpu.memory_space<semaphore_mem>>) src(%dma_wait3A_19 : memref<10000xi32, #tpu.memory_space<hbm>>) dst(%arg5 : memref<10000xi32, #tpu.memory_space<vmem>>)
    %dma_wait3A_20 = tpu.memref_slice %arg3[%add3A_11] : memref<640000xi32, #tpu.memory_space<hbm>> -> memref<10000xi32, #tpu.memory_space<hbm>>
    %dma_wait3A_21 = tpu.memref_slice %arg3[%add3A_11] : memref<640000xi32, #tpu.memory_space<hbm>> -> memref<10000xi32, #tpu.memory_space<hbm>>
    tpu.wait_dma2 semaphore(%arg10 : memref<!tpu.dma_semaphore, #tpu.memory_space<semaphore_mem>>) src(%dma_wait3A_21 : memref<10000xi32, #tpu.memory_space<hbm>>) dst(%arg6 : memref<10000xi32, #tpu.memory_space<vmem>>)
    tpu.wait_dma2 semaphore(%arg11 : memref<!tpu.dma_semaphore, #tpu.memory_space<semaphore_mem>>) src(%arg2 : memref<40000xf32, #tpu.memory_space<hbm>>) dst(%arg7 : memref<40000xf32, #tpu.memory_space<vmem>>)
    %scan3A_22 = arith.constant 0 : i32
    %scan3A_23 = arith.constant 312 : i32
    %scan3A_24 = arith.addi %scan3A_22, %scan3A_23 : i32
    %scan3A_25 = arith.constant 1 : i32
    scf.for %scan3A_53 = %scan3A_22 to %scan3A_24 step %scan3A_25  : i32 {
      %mul3A_54 = arith.constant 32 : i32
      %mul3A_55 = arith.muli %scan3A_53, %mul3A_54 : i32
      %add3A_56 = arith.constant 0 : i32
      %add3A_57 = arith.addi %add3A_56, %mul3A_55 : i32
      %get3A_58 = arith.index_cast %add3A_57 : i32 to index
      %get3A_59 = tpu.vector_load %arg5[%get3A_58] {strides = array<i32>} : memref<10000xi32, #tpu.memory_space<vmem>>, vector<16xi32>,
      %get3A_60 = arith.index_cast %add3A_57 : i32 to index
      %get3A_61 = tpu.vector_load %arg6[%get3A_60] {strides = array<i32>} : memref<10000xi32, #tpu.memory_space<vmem>>, vector<16xi32>,
      %add3A_62 = arith.constant 16 : i32
      %add3A_63 = arith.addi %add3A_57, %add3A_62 : i32
      %get3A_64 = arith.index_cast %add3A_63 : i32 to index
      %get3A_65 = tpu.vector_load %arg5[%get3A_64] {strides = array<i32>} : memref<10000xi32, #tpu.memory_space<vmem>>, vector<16xi32>,
      %add3A_66 = arith.constant 16 : i32
      %add3A_67 = arith.addi %add3A_57, %add3A_66 : i32
      %get3A_68 = arith.index_cast %add3A_67 : i32 to index
      %get3A_69 = tpu.vector_load %arg6[%get3A_68] {strides = array<i32>} : memref<10000xi32, #tpu.memory_space<vmem>>, vector<16xi32>,
      %gather3A_70 = tpu.vector_load_idx %arg7[%get3A_59] : memref<40000xf32, #tpu.memory_space<vmem>>[vector<16xi32>], vector<16xf32>,
      %add3A_71 = arith.constant 10000 : i32
      %add3A_72 = vector.broadcast %add3A_71 : i32 to vector<16xi32>
      %add3A_73 = arith.addi %get3A_59, %add3A_72 : vector<16xi32>
      %gather3A_74 = tpu.vector_load_idx %arg7[%add3A_73] : memref<40000xf32, #tpu.memory_space<vmem>>[vector<16xi32>], vector<16xf32>,
      %add3A_75 = arith.constant 10000 : i32
      %add3A_76 = vector.broadcast %add3A_75 : i32 to vector<16xi32>
      %add3A_77 = arith.addi %get3A_61, %add3A_76 : vector<16xi32>
      %add3A_78 = arith.constant 20000 : i32
      %add3A_79 = vector.broadcast %add3A_78 : i32 to vector<16xi32>
      %add3A_80 = arith.addi %get3A_59, %add3A_79 : vector<16xi32>
      %gather3A_81 = tpu.vector_load_idx %arg7[%add3A_80] : memref<40000xf32, #tpu.memory_space<vmem>>[vector<16xi32>], vector<16xf32>,
      %add3A_82 = arith.constant 20000 : i32
      %add3A_83 = vector.broadcast %add3A_82 : i32 to vector<16xi32>
      %add3A_84 = arith.addi %get3A_61, %add3A_83 : vector<16xi32>
      %add3A_85 = arith.constant 30000 : i32
      %add3A_86 = vector.broadcast %add3A_85 : i32 to vector<16xi32>
      %add3A_87 = arith.addi %get3A_59, %add3A_86 : vector<16xi32>
      %gather3A_88 = tpu.vector_load_idx %arg7[%add3A_87] : memref<40000xf32, #tpu.memory_space<vmem>>[vector<16xi32>], vector<16xf32>,
      %add3A_89 = arith.constant 30000 : i32
      %add3A_90 = vector.broadcast %add3A_89 : i32 to vector<16xi32>
      %add3A_91 = arith.addi %get3A_61, %add3A_90 : vector<16xi32>
      tpu.vector_store_idx %arg8[%get3A_61], %gather3A_70 {add = true} : memref<40000xf32, #tpu.memory_space<vmem>>[vector<16xi32>], vector<16xf32>,
      tpu.vector_store_idx %arg8[%add3A_77], %gather3A_74 {add = true} : memref<40000xf32, #tpu.memory_space<vmem>>[vector<16xi32>], vector<16xf32>,
      tpu.vector_store_idx %arg8[%add3A_84], %gather3A_81 {add = true} : memref<40000xf32, #tpu.memory_space<vmem>>[vector<16xi32>], vector<16xf32>,
      tpu.vector_store_idx %arg8[%add3A_91], %gather3A_88 {add = true} : memref<40000xf32, #tpu.memory_space<vmem>>[vector<16xi32>], vector<16xf32>,
      %gather3A_92 = tpu.vector_load_idx %arg7[%get3A_65] : memref<40000xf32, #tpu.memory_space<vmem>>[vector<16xi32>], vector<16xf32>,
      %add3A_93 = arith.constant 10000 : i32
      %add3A_94 = vector.broadcast %add3A_93 : i32 to vector<16xi32>
      %add3A_95 = arith.addi %get3A_65, %add3A_94 : vector<16xi32>
      %gather3A_96 = tpu.vector_load_idx %arg7[%add3A_95] : memref<40000xf32, #tpu.memory_space<vmem>>[vector<16xi32>], vector<16xf32>,
      %add3A_97 = arith.constant 10000 : i32
      %add3A_98 = vector.broadcast %add3A_97 : i32 to vector<16xi32>
      %add3A_99 = arith.addi %get3A_69, %add3A_98 : vector<16xi32>
      %add3A_100 = arith.constant 20000 : i32
      %add3A_101 = vector.broadcast %add3A_100 : i32 to vector<16xi32>
      %add3A_102 = arith.addi %get3A_65, %add3A_101 : vector<16xi32>
      %gather3A_103 = tpu.vector_load_idx %arg7[%add3A_102] : memref<40000xf32, #tpu.memory_space<vmem>>[vector<16xi32>], vector<16xf32>,
      %add3A_104 = arith.constant 20000 : i32
      %add3A_105 = vector.broadcast %add3A_104 : i32 to vector<16xi32>
      %add3A_106 = arith.addi %get3A_69, %add3A_105 : vector<16xi32>
      %add3A_107 = arith.constant 30000 : i32
      %add3A_108 = vector.broadcast %add3A_107 : i32 to vector<16xi32>
      %add3A_109 = arith.addi %get3A_65, %add3A_108 : vector<16xi32>
      %gather3A_110 = tpu.vector_load_idx %arg7[%add3A_109] : memref<40000xf32, #tpu.memory_space<vmem>>[vector<16xi32>], vector<16xf32>,
      %add3A_111 = arith.constant 30000 : i32
      %add3A_112 = vector.broadcast %add3A_111 : i32 to vector<16xi32>
      %add3A_113 = arith.addi %get3A_69, %add3A_112 : vector<16xi32>
      tpu.vector_store_idx %arg8[%get3A_69], %gather3A_92 {add = true} : memref<40000xf32, #tpu.memory_space<vmem>>[vector<16xi32>], vector<16xf32>,
      tpu.vector_store_idx %arg8[%add3A_99], %gather3A_96 {add = true} : memref<40000xf32, #tpu.memory_space<vmem>>[vector<16xi32>], vector<16xf32>,
      tpu.vector_store_idx %arg8[%add3A_106], %gather3A_103 {add = true} : memref<40000xf32, #tpu.memory_space<vmem>>[vector<16xi32>], vector<16xf32>,
      tpu.vector_store_idx %arg8[%add3A_113], %gather3A_110 {add = true} : memref<40000xf32, #tpu.memory_space<vmem>>[vector<16xi32>], vector<16xf32>,
    }
    %scan3A_26 = arith.constant 312 : i32
    %get3A = arith.constant 9984 : index
    %get3A_27 = tpu.vector_load %arg5[%get3A] {strides = array<i32>} : memref<10000xi32, #tpu.memory_space<vmem>>, vector<16xi32>,
    %get3A_28 = arith.constant 9984 : index
    %get3A_29 = tpu.vector_load %arg6[%get3A_28] {strides = array<i32>} : memref<10000xi32, #tpu.memory_space<vmem>>, vector<16xi32>,
    %gather3A = tpu.vector_load_idx %arg7[%get3A_27] : memref<40000xf32, #tpu.memory_space<vmem>>[vector<16xi32>], vector<16xf32>,
    %add3A_30 = arith.constant 10000 : i32
    %add3A_31 = vector.broadcast %add3A_30 : i32 to vector<16xi32>
    %add3A_32 = arith.addi %get3A_27, %add3A_31 : vector<16xi32>
    %gather3A_33 = tpu.vector_load_idx %arg7[%add3A_32] : memref<40000xf32, #tpu.memory_space<vmem>>[vector<16xi32>], vector<16xf32>,
    %add3A_34 = arith.constant 10000 : i32
    %add3A_35 = vector.broadcast %add3A_34 : i32 to vector<16xi32>
    %add3A_36 = arith.addi %get3A_29, %add3A_35 : vector<16xi32>
    %add3A_37 = arith.constant 20000 : i32
    %add3A_38 = vector.broadcast %add3A_37 : i32 to vector<16xi32>
    %add3A_39 = arith.addi %get3A_27, %add3A_38 : vector<16xi32>
    %gather3A_40 = tpu.vector_load_idx %arg7[%add3A_39] : memref<40000xf32, #tpu.memory_space<vmem>>[vector<16xi32>], vector<16xf32>,
    %add3A_41 = arith.constant 20000 : i32
    %add3A_42 = vector.broadcast %add3A_41 : i32 to vector<16xi32>
    %add3A_43 = arith.addi %get3A_29, %add3A_42 : vector<16xi32>
    %add3A_44 = arith.constant 30000 : i32
    %add3A_45 = vector.broadcast %add3A_44 : i32 to vector<16xi32>
    %add3A_46 = arith.addi %get3A_27, %add3A_45 : vector<16xi32>
    %gather3A_47 = tpu.vector_load_idx %arg7[%add3A_46] : memref<40000xf32, #tpu.memory_space<vmem>>[vector<16xi32>], vector<16xf32>,
    %add3A_48 = arith.constant 30000 : i32
    %add3A_49 = vector.broadcast %add3A_48 : i32 to vector<16xi32>
    %add3A_50 = arith.addi %get3A_29, %add3A_49 : vector<16xi32>
    tpu.vector_store_idx %arg8[%get3A_29], %gather3A {add = true} : memref<40000xf32, #tpu.memory_space<vmem>>[vector<16xi32>], vector<16xf32>,
    tpu.vector_store_idx %arg8[%add3A_36], %gather3A_33 {add = true} : memref<40000xf32, #tpu.memory_space<vmem>>[vector<16xi32>], vector<16xf32>,
    tpu.vector_store_idx %arg8[%add3A_43], %gather3A_40 {add = true} : memref<40000xf32, #tpu.memory_space<vmem>>[vector<16xi32>], vector<16xf32>,
    tpu.vector_store_idx %arg8[%add3A_50], %gather3A_47 {add = true} : memref<40000xf32, #tpu.memory_space<vmem>>[vector<16xi32>], vector<16xf32>,
    %mul3A_51 = arith.constant 40064 : i32
    %mul3A_52 = arith.muli %add3A, %mul3A_51 : i32
    "tpu.region"() ({
      %run_scoped3A = tpu.sem_alloc : memref<!tpu.dma_semaphore, #tpu.memory_space<semaphore_mem>>
      %dma_start3A_53 = tpu.memref_slice %arg4[%mul3A_52] : memref<1282048xf32, #tpu.memory_space<hbm>> -> memref<40000xf32, #tpu.memory_space<hbm>>
      %dma_start3A_54 = tpu.memref_slice %arg4[%mul3A_52] : memref<1282048xf32, #tpu.memory_space<hbm>> -> memref<40000xf32, #tpu.memory_space<hbm>>
      tpu.enqueue_dma source(%arg8 : memref<40000xf32, #tpu.memory_space<vmem>>) target(%dma_start3A_54 : memref<40000xf32, #tpu.memory_space<hbm>>) target_semaphore(%run_scoped3A : memref<!tpu.dma_semaphore, #tpu.memory_space<semaphore_mem>>)
      %dma_wait3A_55 = tpu.memref_slice %arg4[%mul3A_52] : memref<1282048xf32, #tpu.memory_space<hbm>> -> memref<40000xf32, #tpu.memory_space<hbm>>
      %dma_wait3A_56 = tpu.memref_slice %arg4[%mul3A_52] : memref<1282048xf32, #tpu.memory_space<hbm>> -> memref<40000xf32, #tpu.memory_space<hbm>>
      tpu.wait_dma2 semaphore(%run_scoped3A : memref<!tpu.dma_semaphore, #tpu.memory_space<semaphore_mem>>) src(%arg8 : memref<40000xf32, #tpu.memory_space<vmem>>) dst(%dma_wait3A_56 : memref<40000xf32, #tpu.memory_space<hbm>>)
      tpu.yield
    }) : () -> ()
    return
  }
}

#map = affine_map<(d0, d1) -> (0)>
module attributes {stable_mosaic.version = 14 : i64} {
  func.func @agg_kernel(%arg0: i32, %arg1: i32, %arg2: memref<40000xf32, #tpu.memory_space<hbm>>, %arg3: memref<640000xi32, #tpu.memory_space<hbm>>, %arg4: memref<1282048xf32, #tpu.memory_space<hbm>>, %arg5: memref<10000xi32, #tpu.memory_space<vmem>>, %arg6: memref<10000xi32, #tpu.memory_space<vmem>>, %arg7: memref<40000xf32, #tpu.memory_space<vmem>>, %arg8: memref<40000xf32, #tpu.memory_space<vmem>>, %arg9: memref<!tpu.dma_semaphore, #tpu.memory_space<semaphore_mem>>, %arg10: memref<!tpu.dma_semaphore, #tpu.memory_space<semaphore_mem>>, %arg11: memref<!tpu.dma_semaphore, #tpu.memory_space<semaphore_mem>>) attributes {dimension_semantics = [#tpu.dimension_semantics<core_parallel>, #tpu.dimension_semantics<subcore_parallel>], iteration_bounds = array<i64: 2, 16>, scalar_prefetch = 0 : i64, scratch_operands = 7 : i64, tpu.core_type = #tpu.core_type<sc_vector_subcore>, window_params = [{transform_indices = #map}, {transform_indices = #map}, {transform_indices = #map}]} {
    %mul3A = arith.constant 2 : i32
    %mul3A_0 = arith.muli %arg1, %mul3A : i32
    %add3A = arith.addi %mul3A_0, %arg0 : i32
    %mul3A_1 = arith.constant 2 : i32
    %mul3A_2 = arith.muli %add3A, %mul3A_1 : i32
    %mul3A_3 = arith.constant 10000 : i32
    %mul3A_4 = arith.muli %mul3A_2, %mul3A_3 : i32
    %dma_start3A = tpu.memref_slice %arg3[%mul3A_4] : memref<640000xi32, #tpu.memory_space<hbm>> -> memref<10000xi32, #tpu.memory_space<hbm>>
    %dma_start3A_5 = tpu.memref_slice %arg3[%mul3A_4] : memref<640000xi32, #tpu.memory_space<hbm>> -> memref<10000xi32, #tpu.memory_space<hbm>>
    tpu.enqueue_dma source(%dma_start3A_5 : memref<10000xi32, #tpu.memory_space<hbm>>) target(%arg5 : memref<10000xi32, #tpu.memory_space<vmem>>) target_semaphore(%arg9 : memref<!tpu.dma_semaphore, #tpu.memory_space<semaphore_mem>>)
    %mul3A_6 = arith.constant 2 : i32
    %mul3A_7 = arith.muli %add3A, %mul3A_6 : i32
    %mul3A_8 = arith.constant 10000 : i32
    %mul3A_9 = arith.muli %mul3A_7, %mul3A_8 : i32
    %add3A_10 = arith.constant 10000 : i32
    %add3A_11 = arith.addi %mul3A_9, %add3A_10 : i32
    %dma_start3A_12 = tpu.memref_slice %arg3[%add3A_11] : memref<640000xi32, #tpu.memory_space<hbm>> -> memref<10000xi32, #tpu.memory_space<hbm>>
    %dma_start3A_13 = tpu.memref_slice %arg3[%add3A_11] : memref<640000xi32, #tpu.memory_space<hbm>> -> memref<10000xi32, #tpu.memory_space<hbm>>
    tpu.enqueue_dma source(%dma_start3A_13 : memref<10000xi32, #tpu.memory_space<hbm>>) target(%arg6 : memref<10000xi32, #tpu.memory_space<vmem>>) target_semaphore(%arg10 : memref<!tpu.dma_semaphore, #tpu.memory_space<semaphore_mem>>)
    tpu.enqueue_dma source(%arg2 : memref<40000xf32, #tpu.memory_space<hbm>>) target(%arg7 : memref<40000xf32, #tpu.memory_space<vmem>>) target_semaphore(%arg11 : memref<!tpu.dma_semaphore, #tpu.memory_space<semaphore_mem>>)
    %broadcast_in_dim3A = arith.constant 0.000000e+00 : f32
    %broadcast_in_dim3A_14 = vector.broadcast %broadcast_in_dim3A : f32 to vector<16xf32>
    %scan3A = arith.constant 0 : i32
    %scan3A_15 = arith.constant 250 : i32
    %scan3A_16 = arith.addi %scan3A, %scan3A_15 : i32
    %scan3A_17 = arith.constant 1 : i32
    scf.for %scan3A_53 = %scan3A to %scan3A_16 step %scan3A_17  : i32 {
      %mul3A_54 = arith.constant 160 : i32
      %mul3A_55 = arith.muli %scan3A_53, %mul3A_54 : i32
      %add3A_56 = arith.constant 0 : i32
      %add3A_57 = arith.addi %add3A_56, %mul3A_55 : i32
      %add3A_58 = arith.constant 0 : i32
      %add3A_59 = arith.addi %add3A_57, %add3A_58 : i32
      %swap3A = arith.index_cast %add3A_59 : i32 to index
      %swap3A_60 = tpu.vector_load %arg8[%swap3A] {strides = array<i32>} : memref<40000xf32, #tpu.memory_space<vmem>>, vector<16xf32>,
      tpu.vector_store %arg8[%swap3A], %broadcast_in_dim3A_14 {strides = array<i32>} : memref<40000xf32, #tpu.memory_space<vmem>>, vector<16xf32>,
      %add3A_61 = arith.constant 16 : i32
      %add3A_62 = arith.addi %add3A_57, %add3A_61 : i32
      %swap3A_63 = arith.index_cast %add3A_62 : i32 to index
      %swap3A_64 = tpu.vector_load %arg8[%swap3A_63] {strides = array<i32>} : memref<40000xf32, #tpu.memory_space<vmem>>, vector<16xf32>,
      tpu.vector_store %arg8[%swap3A_63], %broadcast_in_dim3A_14 {strides = array<i32>} : memref<40000xf32, #tpu.memory_space<vmem>>, vector<16xf32>,
      %add3A_65 = arith.constant 32 : i32
      %add3A_66 = arith.addi %add3A_57, %add3A_65 : i32
      %swap3A_67 = arith.index_cast %add3A_66 : i32 to index
      %swap3A_68 = tpu.vector_load %arg8[%swap3A_67] {strides = array<i32>} : memref<40000xf32, #tpu.memory_space<vmem>>, vector<16xf32>,
      tpu.vector_store %arg8[%swap3A_67], %broadcast_in_dim3A_14 {strides = array<i32>} : memref<40000xf32, #tpu.memory_space<vmem>>, vector<16xf32>,
      %add3A_69 = arith.constant 48 : i32
      %add3A_70 = arith.addi %add3A_57, %add3A_69 : i32
      %swap3A_71 = arith.index_cast %add3A_70 : i32 to index
      %swap3A_72 = tpu.vector_load %arg8[%swap3A_71] {strides = array<i32>} : memref<40000xf32, #tpu.memory_space<vmem>>, vector<16xf32>,
      tpu.vector_store %arg8[%swap3A_71], %broadcast_in_dim3A_14 {strides = array<i32>} : memref<40000xf32, #tpu.memory_space<vmem>>, vector<16xf32>,
      %add3A_73 = arith.constant 64 : i32
      %add3A_74 = arith.addi %add3A_57, %add3A_73 : i32
      %swap3A_75 = arith.index_cast %add3A_74 : i32 to index
      %swap3A_76 = tpu.vector_load %arg8[%swap3A_75] {strides = array<i32>} : memref<40000xf32, #tpu.memory_space<vmem>>, vector<16xf32>,
      tpu.vector_store %arg8[%swap3A_75], %broadcast_in_dim3A_14 {strides = array<i32>} : memref<40000xf32, #tpu.memory_space<vmem>>, vector<16xf32>,
      %add3A_77 = arith.constant 80 : i32
      %add3A_78 = arith.addi %add3A_57, %add3A_77 : i32
      %swap3A_79 = arith.index_cast %add3A_78 : i32 to index
      %swap3A_80 = tpu.vector_load %arg8[%swap3A_79] {strides = array<i32>} : memref<40000xf32, #tpu.memory_space<vmem>>, vector<16xf32>,
      tpu.vector_store %arg8[%swap3A_79], %broadcast_in_dim3A_14 {strides = array<i32>} : memref<40000xf32, #tpu.memory_space<vmem>>, vector<16xf32>,
      %add3A_81 = arith.constant 96 : i32
      %add3A_82 = arith.addi %add3A_57, %add3A_81 : i32
      %swap3A_83 = arith.index_cast %add3A_82 : i32 to index
      %swap3A_84 = tpu.vector_load %arg8[%swap3A_83] {strides = array<i32>} : memref<40000xf32, #tpu.memory_space<vmem>>, vector<16xf32>,
      tpu.vector_store %arg8[%swap3A_83], %broadcast_in_dim3A_14 {strides = array<i32>} : memref<40000xf32, #tpu.memory_space<vmem>>, vector<16xf32>,
      %add3A_85 = arith.constant 112 : i32
      %add3A_86 = arith.addi %add3A_57, %add3A_85 : i32
      %swap3A_87 = arith.index_cast %add3A_86 : i32 to index
      %swap3A_88 = tpu.vector_load %arg8[%swap3A_87] {strides = array<i32>} : memref<40000xf32, #tpu.memory_space<vmem>>, vector<16xf32>,
      tpu.vector_store %arg8[%swap3A_87], %broadcast_in_dim3A_14 {strides = array<i32>} : memref<40000xf32, #tpu.memory_space<vmem>>, vector<16xf32>,
      %add3A_89 = arith.constant 128 : i32
      %add3A_90 = arith.addi %add3A_57, %add3A_89 : i32
      %swap3A_91 = arith.index_cast %add3A_90 : i32 to index
      %swap3A_92 = tpu.vector_load %arg8[%swap3A_91] {strides = array<i32>} : memref<40000xf32, #tpu.memory_space<vmem>>, vector<16xf32>,
      tpu.vector_store %arg8[%swap3A_91], %broadcast_in_dim3A_14 {strides = array<i32>} : memref<40000xf32, #tpu.memory_space<vmem>>, vector<16xf32>,
      %add3A_93 = arith.constant 144 : i32
      %add3A_94 = arith.addi %add3A_57, %add3A_93 : i32
      %swap3A_95 = arith.index_cast %add3A_94 : i32 to index
      %swap3A_96 = tpu.vector_load %arg8[%swap3A_95] {strides = array<i32>} : memref<40000xf32, #tpu.memory_space<vmem>>, vector<16xf32>,
      tpu.vector_store %arg8[%swap3A_95], %broadcast_in_dim3A_14 {strides = array<i32>} : memref<40000xf32, #tpu.memory_space<vmem>>, vector<16xf32>,
    }
    %scan3A_18 = arith.constant 250 : i32
    %dma_wait3A = tpu.memref_slice %arg3[%mul3A_4] : memref<640000xi32, #tpu.memory_space<hbm>> -> memref<10000xi32, #tpu.memory_space<hbm>>
    %dma_wait3A_19 = tpu.memref_slice %arg3[%mul3A_4] : memref<640000xi32, #tpu.memory_space<hbm>> -> memref<10000xi32, #tpu.memory_space<hbm>>
    tpu.wait_dma2 semaphore(%arg9 : memref<!tpu.dma_semaphore, #tpu.memory_space<semaphore_mem>>) src(%dma_wait3A_19 : memref<10000xi32, #tpu.memory_space<hbm>>) dst(%arg5 : memref<10000xi32, #tpu.memory_space<vmem>>)
    %dma_wait3A_20 = tpu.memref_slice %arg3[%add3A_11] : memref<640000xi32, #tpu.memory_space<hbm>> -> memref<10000xi32, #tpu.memory_space<hbm>>
    %dma_wait3A_21 = tpu.memref_slice %arg3[%add3A_11] : memref<640000xi32, #tpu.memory_space<hbm>> -> memref<10000xi32, #tpu.memory_space<hbm>>
    tpu.wait_dma2 semaphore(%arg10 : memref<!tpu.dma_semaphore, #tpu.memory_space<semaphore_mem>>) src(%dma_wait3A_21 : memref<10000xi32, #tpu.memory_space<hbm>>) dst(%arg6 : memref<10000xi32, #tpu.memory_space<vmem>>)
    tpu.wait_dma2 semaphore(%arg11 : memref<!tpu.dma_semaphore, #tpu.memory_space<semaphore_mem>>) src(%arg2 : memref<40000xf32, #tpu.memory_space<hbm>>) dst(%arg7 : memref<40000xf32, #tpu.memory_space<vmem>>)
    %scan3A_22 = arith.constant 0 : i32
    %scan3A_23 = arith.constant 312 : i32
    %scan3A_24 = arith.addi %scan3A_22, %scan3A_23 : i32
    %scan3A_25 = arith.constant 1 : i32
    scf.for %scan3A_53 = %scan3A_22 to %scan3A_24 step %scan3A_25  : i32 {
      %mul3A_54 = arith.constant 32 : i32
      %mul3A_55 = arith.muli %scan3A_53, %mul3A_54 : i32
      %add3A_56 = arith.constant 0 : i32
      %add3A_57 = arith.addi %add3A_56, %mul3A_55 : i32
      %get3A_58 = arith.index_cast %add3A_57 : i32 to index
      %get3A_59 = tpu.vector_load %arg5[%get3A_58] {strides = array<i32>} : memref<10000xi32, #tpu.memory_space<vmem>>, vector<16xi32>,
      %get3A_60 = arith.index_cast %add3A_57 : i32 to index
      %get3A_61 = tpu.vector_load %arg6[%get3A_60] {strides = array<i32>} : memref<10000xi32, #tpu.memory_space<vmem>>, vector<16xi32>,
      %add3A_62 = arith.constant 16 : i32
      %add3A_63 = arith.addi %add3A_57, %add3A_62 : i32
      %get3A_64 = arith.index_cast %add3A_63 : i32 to index
      %get3A_65 = tpu.vector_load %arg5[%get3A_64] {strides = array<i32>} : memref<10000xi32, #tpu.memory_space<vmem>>, vector<16xi32>,
      %add3A_66 = arith.constant 16 : i32
      %add3A_67 = arith.addi %add3A_57, %add3A_66 : i32
      %get3A_68 = arith.index_cast %add3A_67 : i32 to index
      %get3A_69 = tpu.vector_load %arg6[%get3A_68] {strides = array<i32>} : memref<10000xi32, #tpu.memory_space<vmem>>, vector<16xi32>,
      %gather3A_70 = tpu.vector_load_idx %arg7[%get3A_59] : memref<40000xf32, #tpu.memory_space<vmem>>[vector<16xi32>], vector<16xf32>,
      %add3A_71 = arith.constant 10000 : i32
      %add3A_72 = vector.broadcast %add3A_71 : i32 to vector<16xi32>
      %add3A_73 = arith.addi %get3A_59, %add3A_72 : vector<16xi32>
      %gather3A_74 = tpu.vector_load_idx %arg7[%add3A_73] : memref<40000xf32, #tpu.memory_space<vmem>>[vector<16xi32>], vector<16xf32>,
      %add3A_75 = arith.constant 10000 : i32
      %add3A_76 = vector.broadcast %add3A_75 : i32 to vector<16xi32>
      %add3A_77 = arith.addi %get3A_61, %add3A_76 : vector<16xi32>
      %add3A_78 = arith.constant 20000 : i32
      %add3A_79 = vector.broadcast %add3A_78 : i32 to vector<16xi32>
      %add3A_80 = arith.addi %get3A_59, %add3A_79 : vector<16xi32>
      %gather3A_81 = tpu.vector_load_idx %arg7[%add3A_80] : memref<40000xf32, #tpu.memory_space<vmem>>[vector<16xi32>], vector<16xf32>,
      %add3A_82 = arith.constant 20000 : i32
      %add3A_83 = vector.broadcast %add3A_82 : i32 to vector<16xi32>
      %add3A_84 = arith.addi %get3A_61, %add3A_83 : vector<16xi32>
      %add3A_85 = arith.constant 30000 : i32
      %add3A_86 = vector.broadcast %add3A_85 : i32 to vector<16xi32>
      %add3A_87 = arith.addi %get3A_59, %add3A_86 : vector<16xi32>
      %gather3A_88 = tpu.vector_load_idx %arg7[%add3A_87] : memref<40000xf32, #tpu.memory_space<vmem>>[vector<16xi32>], vector<16xf32>,
      %add3A_89 = arith.constant 30000 : i32
      %add3A_90 = vector.broadcast %add3A_89 : i32 to vector<16xi32>
      %add3A_91 = arith.addi %get3A_61, %add3A_90 : vector<16xi32>
      tpu.vector_store_idx %arg8[%get3A_61], %gather3A_70 {add = true} : memref<40000xf32, #tpu.memory_space<vmem>>[vector<16xi32>], vector<16xf32>,
      tpu.vector_store_idx %arg8[%add3A_77], %gather3A_74 {add = true} : memref<40000xf32, #tpu.memory_space<vmem>>[vector<16xi32>], vector<16xf32>,
      tpu.vector_store_idx %arg8[%add3A_84], %gather3A_81 {add = true} : memref<40000xf32, #tpu.memory_space<vmem>>[vector<16xi32>], vector<16xf32>,
      tpu.vector_store_idx %arg8[%add3A_91], %gather3A_88 {add = true} : memref<40000xf32, #tpu.memory_space<vmem>>[vector<16xi32>], vector<16xf32>,
      %gather3A_92 = tpu.vector_load_idx %arg7[%get3A_65] : memref<40000xf32, #tpu.memory_space<vmem>>[vector<16xi32>], vector<16xf32>,
      %add3A_93 = arith.constant 10000 : i32
      %add3A_94 = vector.broadcast %add3A_93 : i32 to vector<16xi32>
      %add3A_95 = arith.addi %get3A_65, %add3A_94 : vector<16xi32>
      %gather3A_96 = tpu.vector_load_idx %arg7[%add3A_95] : memref<40000xf32, #tpu.memory_space<vmem>>[vector<16xi32>], vector<16xf32>,
      %add3A_97 = arith.constant 10000 : i32
      %add3A_98 = vector.broadcast %add3A_97 : i32 to vector<16xi32>
      %add3A_99 = arith.addi %get3A_69, %add3A_98 : vector<16xi32>
      %add3A_100 = arith.constant 20000 : i32
      %add3A_101 = vector.broadcast %add3A_100 : i32 to vector<16xi32>
      %add3A_102 = arith.addi %get3A_65, %add3A_101 : vector<16xi32>
      %gather3A_103 = tpu.vector_load_idx %arg7[%add3A_102] : memref<40000xf32, #tpu.memory_space<vmem>>[vector<16xi32>], vector<16xf32>,
      %add3A_104 = arith.constant 20000 : i32
      %add3A_105 = vector.broadcast %add3A_104 : i32 to vector<16xi32>
      %add3A_106 = arith.addi %get3A_69, %add3A_105 : vector<16xi32>
      %add3A_107 = arith.constant 30000 : i32
      %add3A_108 = vector.broadcast %add3A_107 : i32 to vector<16xi32>
      %add3A_109 = arith.addi %get3A_65, %add3A_108 : vector<16xi32>
      %gather3A_110 = tpu.vector_load_idx %arg7[%add3A_109] : memref<40000xf32, #tpu.memory_space<vmem>>[vector<16xi32>], vector<16xf32>,
      %add3A_111 = arith.constant 30000 : i32
      %add3A_112 = vector.broadcast %add3A_111 : i32 to vector<16xi32>
      %add3A_113 = arith.addi %get3A_69, %add3A_112 : vector<16xi32>
      tpu.vector_store_idx %arg8[%get3A_69], %gather3A_92 {add = true} : memref<40000xf32, #tpu.memory_space<vmem>>[vector<16xi32>], vector<16xf32>,
      tpu.vector_store_idx %arg8[%add3A_99], %gather3A_96 {add = true} : memref<40000xf32, #tpu.memory_space<vmem>>[vector<16xi32>], vector<16xf32>,
      tpu.vector_store_idx %arg8[%add3A_106], %gather3A_103 {add = true} : memref<40000xf32, #tpu.memory_space<vmem>>[vector<16xi32>], vector<16xf32>,
      tpu.vector_store_idx %arg8[%add3A_113], %gather3A_110 {add = true} : memref<40000xf32, #tpu.memory_space<vmem>>[vector<16xi32>], vector<16xf32>,
    }
    %scan3A_26 = arith.constant 312 : i32
    %get3A = arith.constant 9984 : index
    %get3A_27 = tpu.vector_load %arg5[%get3A] {strides = array<i32>} : memref<10000xi32, #tpu.memory_space<vmem>>, vector<16xi32>,
    %get3A_28 = arith.constant 9984 : index
    %get3A_29 = tpu.vector_load %arg6[%get3A_28] {strides = array<i32>} : memref<10000xi32, #tpu.memory_space<vmem>>, vector<16xi32>,
    %gather3A = tpu.vector_load_idx %arg7[%get3A_27] : memref<40000xf32, #tpu.memory_space<vmem>>[vector<16xi32>], vector<16xf32>,
    %add3A_30 = arith.constant 10000 : i32
    %add3A_31 = vector.broadcast %add3A_30 : i32 to vector<16xi32>
    %add3A_32 = arith.addi %get3A_27, %add3A_31 : vector<16xi32>
    %gather3A_33 = tpu.vector_load_idx %arg7[%add3A_32] : memref<40000xf32, #tpu.memory_space<vmem>>[vector<16xi32>], vector<16xf32>,
    %add3A_34 = arith.constant 10000 : i32
    %add3A_35 = vector.broadcast %add3A_34 : i32 to vector<16xi32>
    %add3A_36 = arith.addi %get3A_29, %add3A_35 : vector<16xi32>
    %add3A_37 = arith.constant 20000 : i32
    %add3A_38 = vector.broadcast %add3A_37 : i32 to vector<16xi32>
    %add3A_39 = arith.addi %get3A_27, %add3A_38 : vector<16xi32>
    %gather3A_40 = tpu.vector_load_idx %arg7[%add3A_39] : memref<40000xf32, #tpu.memory_space<vmem>>[vector<16xi32>], vector<16xf32>,
    %add3A_41 = arith.constant 20000 : i32
    %add3A_42 = vector.broadcast %add3A_41 : i32 to vector<16xi32>
    %add3A_43 = arith.addi %get3A_29, %add3A_42 : vector<16xi32>
    %add3A_44 = arith.constant 30000 : i32
    %add3A_45 = vector.broadcast %add3A_44 : i32 to vector<16xi32>
    %add3A_46 = arith.addi %get3A_27, %add3A_45 : vector<16xi32>
    %gather3A_47 = tpu.vector_load_idx %arg7[%add3A_46] : memref<40000xf32, #tpu.memory_space<vmem>>[vector<16xi32>], vector<16xf32>,
    %add3A_48 = arith.constant 30000 : i32
    %add3A_49 = vector.broadcast %add3A_48 : i32 to vector<16xi32>
    %add3A_50 = arith.addi %get3A_29, %add3A_49 : vector<16xi32>
    tpu.vector_store_idx %arg8[%get3A_29], %gather3A {add = true} : memref<40000xf32, #tpu.memory_space<vmem>>[vector<16xi32>], vector<16xf32>,
    tpu.vector_store_idx %arg8[%add3A_36], %gather3A_33 {add = true} : memref<40000xf32, #tpu.memory_space<vmem>>[vector<16xi32>], vector<16xf32>,
    tpu.vector_store_idx %arg8[%add3A_43], %gather3A_40 {add = true} : memref<40000xf32, #tpu.memory_space<vmem>>[vector<16xi32>], vector<16xf32>,
    tpu.vector_store_idx %arg8[%add3A_50], %gather3A_47 {add = true} : memref<40000xf32, #tpu.memory_space<vmem>>[vector<16xi32>], vector<16xf32>,
    %mul3A_51 = arith.constant 40064 : i32
    %mul3A_52 = arith.muli %add3A, %mul3A_51 : i32
    "tpu.region"() ({
      %run_scoped3A = tpu.sem_alloc : memref<!tpu.dma_semaphore, #tpu.memory_space<semaphore_mem>>
      %dma_start3A_53 = tpu.memref_slice %arg4[%mul3A_52] : memref<1282048xf32, #tpu.memory_space<hbm>> -> memref<40000xf32, #tpu.memory_space<hbm>>
      %dma_start3A_54 = tpu.memref_slice %arg4[%mul3A_52] : memref<1282048xf32, #tpu.memory_space<hbm>> -> memref<40000xf32, #tpu.memory_space<hbm>>
      tpu.enqueue_dma source(%arg8 : memref<40000xf32, #tpu.memory_space<vmem>>) target(%dma_start3A_54 : memref<40000xf32, #tpu.memory_space<hbm>>) target_semaphore(%run_scoped3A : memref<!tpu.dma_semaphore, #tpu.memory_space<semaphore_mem>>)
      %dma_wait3A_55 = tpu.memref_slice %arg4[%mul3A_52] : memref<1282048xf32, #tpu.memory_space<hbm>> -> memref<40000xf32, #tpu.memory_space<hbm>>
      %dma_wait3A_56 = tpu.memref_slice %arg4[%mul3A_52] : memref<1282048xf32, #tpu.memory_space<hbm>> -> memref<40000xf32, #tpu.memory_space<hbm>>
      tpu.wait_dma2 semaphore(%run_scoped3A : memref<!tpu.dma_semaphore, #tpu.memory_space<semaphore_mem>>) src(%arg8 : memref<40000xf32, #tpu.memory_space<vmem>>) dst(%dma_wait3A_56 : memref<40000xf32, #tpu.memory_space<hbm>>)
      tpu.yield
    }) : () -> ()
    return
  }
}

module attributes {stable_mosaic.version = 14 : i64} {
  func.func @_tc1_body(%arg0: memref<323584xf32, #tpu.memory_space<vmem>>, %arg1: memref<40000xf32, #tpu.memory_space<vmem>>, %arg2: memref<10000xf32, #tpu.memory_space<vmem>>, %arg3: memref<40000xf32, #tpu.memory_space<vmem>>) attributes {dimension_semantics = [], scalar_prefetch = 0 : i64, scratch_operands = 0 : i64, tpu.core_type = #tpu.core_type<tc>} {
    %get3A = arith.constant 0 : index
    %get3A_0 = vector.load %arg0[%get3A] : memref<323584xf32, #tpu.memory_space<vmem>>, vector<10000xf32>
    %get3A_1 = arith.constant 10112 : index
    %get3A_2 = vector.load %arg0[%get3A_1] : memref<323584xf32, #tpu.memory_space<vmem>>, vector<10000xf32>
    %add3A = arith.addf %get3A_0, %get3A_2 : vector<10000xf32>
    %get3A_3 = arith.constant 20224 : index
    %get3A_4 = vector.load %arg0[%get3A_3] : memref<323584xf32, #tpu.memory_space<vmem>>, vector<10000xf32>
    %add3A_5 = arith.addf %add3A, %get3A_4 : vector<10000xf32>
    %get3A_6 = arith.constant 30336 : index
    %get3A_7 = vector.load %arg0[%get3A_6] : memref<323584xf32, #tpu.memory_space<vmem>>, vector<10000xf32>
    %add3A_8 = arith.addf %add3A_5, %get3A_7 : vector<10000xf32>
    %get3A_9 = arith.constant 40448 : index
    %get3A_10 = vector.load %arg0[%get3A_9] : memref<323584xf32, #tpu.memory_space<vmem>>, vector<10000xf32>
    %add3A_11 = arith.addf %add3A_8, %get3A_10 : vector<10000xf32>
    %get3A_12 = arith.constant 50560 : index
    %get3A_13 = vector.load %arg0[%get3A_12] : memref<323584xf32, #tpu.memory_space<vmem>>, vector<10000xf32>
    %add3A_14 = arith.addf %add3A_11, %get3A_13 : vector<10000xf32>
    %get3A_15 = arith.constant 60672 : index
    %get3A_16 = vector.load %arg0[%get3A_15] : memref<323584xf32, #tpu.memory_space<vmem>>, vector<10000xf32>
    %add3A_17 = arith.addf %add3A_14, %get3A_16 : vector<10000xf32>
    %get3A_18 = arith.constant 70784 : index
    %get3A_19 = vector.load %arg0[%get3A_18] : memref<323584xf32, #tpu.memory_space<vmem>>, vector<10000xf32>
    %add3A_20 = arith.addf %add3A_17, %get3A_19 : vector<10000xf32>
    %get3A_21 = arith.constant 80896 : index
    %get3A_22 = vector.load %arg0[%get3A_21] : memref<323584xf32, #tpu.memory_space<vmem>>, vector<10000xf32>
    %add3A_23 = arith.addf %add3A_20, %get3A_22 : vector<10000xf32>
    %get3A_24 = arith.constant 91008 : index
    %get3A_25 = vector.load %arg0[%get3A_24] : memref<323584xf32, #tpu.memory_space<vmem>>, vector<10000xf32>
    %add3A_26 = arith.addf %add3A_23, %get3A_25 : vector<10000xf32>
    %get3A_27 = arith.constant 101120 : index
    %get3A_28 = vector.load %arg0[%get3A_27] : memref<323584xf32, #tpu.memory_space<vmem>>, vector<10000xf32>
    %add3A_29 = arith.addf %add3A_26, %get3A_28 : vector<10000xf32>
    %get3A_30 = arith.constant 111232 : index
    %get3A_31 = vector.load %arg0[%get3A_30] : memref<323584xf32, #tpu.memory_space<vmem>>, vector<10000xf32>
    %add3A_32 = arith.addf %add3A_29, %get3A_31 : vector<10000xf32>
    %get3A_33 = arith.constant 121344 : index
    %get3A_34 = vector.load %arg0[%get3A_33] : memref<323584xf32, #tpu.memory_space<vmem>>, vector<10000xf32>
    %add3A_35 = arith.addf %add3A_32, %get3A_34 : vector<10000xf32>
    %get3A_36 = arith.constant 131456 : index
    %get3A_37 = vector.load %arg0[%get3A_36] : memref<323584xf32, #tpu.memory_space<vmem>>, vector<10000xf32>
    %add3A_38 = arith.addf %add3A_35, %get3A_37 : vector<10000xf32>
    %get3A_39 = arith.constant 141568 : index
    %get3A_40 = vector.load %arg0[%get3A_39] : memref<323584xf32, #tpu.memory_space<vmem>>, vector<10000xf32>
    %add3A_41 = arith.addf %add3A_38, %get3A_40 : vector<10000xf32>
    %get3A_42 = arith.constant 151680 : index
    %get3A_43 = vector.load %arg0[%get3A_42] : memref<323584xf32, #tpu.memory_space<vmem>>, vector<10000xf32>
    %add3A_44 = arith.addf %add3A_41, %get3A_43 : vector<10000xf32>
    %get3A_45 = arith.constant 161792 : index
    %get3A_46 = vector.load %arg0[%get3A_45] : memref<323584xf32, #tpu.memory_space<vmem>>, vector<10000xf32>
    %add3A_47 = arith.addf %add3A_44, %get3A_46 : vector<10000xf32>
    %get3A_48 = arith.constant 171904 : index
    %get3A_49 = vector.load %arg0[%get3A_48] : memref<323584xf32, #tpu.memory_space<vmem>>, vector<10000xf32>
    %add3A_50 = arith.addf %add3A_47, %get3A_49 : vector<10000xf32>
    %get3A_51 = arith.constant 182016 : index
    %get3A_52 = vector.load %arg0[%get3A_51] : memref<323584xf32, #tpu.memory_space<vmem>>, vector<10000xf32>
    %add3A_53 = arith.addf %add3A_50, %get3A_52 : vector<10000xf32>
    %get3A_54 = arith.constant 192128 : index
    %get3A_55 = vector.load %arg0[%get3A_54] : memref<323584xf32, #tpu.memory_space<vmem>>, vector<10000xf32>
    %add3A_56 = arith.addf %add3A_53, %get3A_55 : vector<10000xf32>
    %get3A_57 = arith.constant 202240 : index
    %get3A_58 = vector.load %arg0[%get3A_57] : memref<323584xf32, #tpu.memory_space<vmem>>, vector<10000xf32>
    %add3A_59 = arith.addf %add3A_56, %get3A_58 : vector<10000xf32>
    %get3A_60 = arith.constant 212352 : index
    %get3A_61 = vector.load %arg0[%get3A_60] : memref<323584xf32, #tpu.memory_space<vmem>>, vector<10000xf32>
    %add3A_62 = arith.addf %add3A_59, %get3A_61 : vector<10000xf32>
    %get3A_63 = arith.constant 222464 : index
    %get3A_64 = vector.load %arg0[%get3A_63] : memref<323584xf32, #tpu.memory_space<vmem>>, vector<10000xf32>
    %add3A_65 = arith.addf %add3A_62, %get3A_64 : vector<10000xf32>
    %get3A_66 = arith.constant 232576 : index
    %get3A_67 = vector.load %arg0[%get3A_66] : memref<323584xf32, #tpu.memory_space<vmem>>, vector<10000xf32>
    %add3A_68 = arith.addf %add3A_65, %get3A_67 : vector<10000xf32>
    %get3A_69 = arith.constant 242688 : index
    %get3A_70 = vector.load %arg0[%get3A_69] : memref<323584xf32, #tpu.memory_space<vmem>>, vector<10000xf32>
    %add3A_71 = arith.addf %add3A_68, %get3A_70 : vector<10000xf32>
    %get3A_72 = arith.constant 252800 : index
    %get3A_73 = vector.load %arg0[%get3A_72] : memref<323584xf32, #tpu.memory_space<vmem>>, vector<10000xf32>
    %add3A_74 = arith.addf %add3A_71, %get3A_73 : vector<10000xf32>
    %get3A_75 = arith.constant 262912 : index
    %get3A_76 = vector.load %arg0[%get3A_75] : memref<323584xf32, #tpu.memory_space<vmem>>, vector<10000xf32>
    %add3A_77 = arith.addf %add3A_74, %get3A_76 : vector<10000xf32>
    %get3A_78 = arith.constant 273024 : index
    %get3A_79 = vector.load %arg0[%get3A_78] : memref<323584xf32, #tpu.memory_space<vmem>>, vector<10000xf32>
    %add3A_80 = arith.addf %add3A_77, %get3A_79 : vector<10000xf32>
    %get3A_81 = arith.constant 283136 : index
    %get3A_82 = vector.load %arg0[%get3A_81] : memref<323584xf32, #tpu.memory_space<vmem>>, vector<10000xf32>
    %add3A_83 = arith.addf %add3A_80, %get3A_82 : vector<10000xf32>
    %get3A_84 = arith.constant 293248 : index
    %get3A_85 = vector.load %arg0[%get3A_84] : memref<323584xf32, #tpu.memory_space<vmem>>, vector<10000xf32>
    %add3A_86 = arith.addf %add3A_83, %get3A_85 : vector<10000xf32>
    %get3A_87 = arith.constant 303360 : index
    %get3A_88 = vector.load %arg0[%get3A_87] : memref<323584xf32, #tpu.memory_space<vmem>>, vector<10000xf32>
    %add3A_89 = arith.addf %add3A_86, %get3A_88 : vector<10000xf32>
    %get3A_90 = arith.constant 313472 : index
    %get3A_91 = vector.load %arg0[%get3A_90] : memref<323584xf32, #tpu.memory_space<vmem>>, vector<10000xf32>
    %add3A_92 = arith.addf %add3A_89, %get3A_91 : vector<10000xf32>
    %add3A_93 = arith.constant 1.000000e+00 : f32
    %add3A_94 = vector.broadcast %add3A_93 : f32 to vector<10000xf32>
    %add3A_95 = arith.addf %add3A_92, %add3A_94 : vector<10000xf32>
    %rsqrt3A = math.rsqrt %add3A_95 : vector<10000xf32>
    %swap3A = arith.constant 0 : index
    %swap3A_96 = vector.load %arg2[%swap3A] : memref<10000xf32, #tpu.memory_space<vmem>>, vector<10000xf32>
    tpu.vector_store %arg2[%swap3A], %rsqrt3A {strides = array<i32>} : memref<10000xf32, #tpu.memory_space<vmem>>, vector<10000xf32>,
    %get3A_97 = arith.constant 0 : index
    %get3A_98 = vector.load %arg1[%get3A_97] : memref<40000xf32, #tpu.memory_space<vmem>>, vector<10000xf32>
    %mul3A = arith.mulf %get3A_98, %rsqrt3A : vector<10000xf32>
    %swap3A_99 = arith.constant 0 : index
    %swap3A_100 = vector.load %arg3[%swap3A_99] : memref<40000xf32, #tpu.memory_space<vmem>>, vector<10000xf32>
    tpu.vector_store %arg3[%swap3A_99], %mul3A {strides = array<i32>} : memref<40000xf32, #tpu.memory_space<vmem>>, vector<10000xf32>,
    %get3A_101 = arith.constant 10000 : index
    %get3A_102 = vector.load %arg1[%get3A_101] : memref<40000xf32, #tpu.memory_space<vmem>>, vector<10000xf32>
    %mul3A_103 = arith.mulf %get3A_102, %rsqrt3A : vector<10000xf32>
    %swap3A_104 = arith.constant 10000 : index
    %swap3A_105 = vector.load %arg3[%swap3A_104] : memref<40000xf32, #tpu.memory_space<vmem>>, vector<10000xf32>
    tpu.vector_store %arg3[%swap3A_104], %mul3A_103 {strides = array<i32>} : memref<40000xf32, #tpu.memory_space<vmem>>, vector<10000xf32>,
    %get3A_106 = arith.constant 20000 : index
    %get3A_107 = vector.load %arg1[%get3A_106] : memref<40000xf32, #tpu.memory_space<vmem>>, vector<10000xf32>
    %mul3A_108 = arith.mulf %get3A_107, %rsqrt3A : vector<10000xf32>
    %swap3A_109 = arith.constant 20000 : index
    %swap3A_110 = vector.load %arg3[%swap3A_109] : memref<40000xf32, #tpu.memory_space<vmem>>, vector<10000xf32>
    tpu.vector_store %arg3[%swap3A_109], %mul3A_108 {strides = array<i32>} : memref<40000xf32, #tpu.memory_space<vmem>>, vector<10000xf32>,
    %get3A_111 = arith.constant 30000 : index
    %get3A_112 = vector.load %arg1[%get3A_111] : memref<40000xf32, #tpu.memory_space<vmem>>, vector<10000xf32>
    %mul3A_113 = arith.mulf %get3A_112, %rsqrt3A : vector<10000xf32>
    %swap3A_114 = arith.constant 30000 : index
    %swap3A_115 = vector.load %arg3[%swap3A_114] : memref<40000xf32, #tpu.memory_space<vmem>>, vector<10000xf32>
    tpu.vector_store %arg3[%swap3A_114], %mul3A_113 {strides = array<i32>} : memref<40000xf32, #tpu.memory_space<vmem>>, vector<10000xf32>,
    return
  }
}

module attributes {stable_mosaic.version = 14 : i64} {
  func.func @_tc0_body(%arg0: memref<10000x128xf32, #tpu.memory_space<vmem>>, %arg1: memref<4x128xf32, #tpu.memory_space<vmem>>, %arg2: memref<40000xf32, #tpu.memory_space<vmem>>) attributes {dimension_semantics = [], scalar_prefetch = 0 : i64, scratch_operands = 0 : i64, tpu.core_type = #tpu.core_type<tc>} {
    %get3A = arith.constant 0 : index
    %get3A_0 = arith.constant 0 : index
    %get3A_1 = vector.load %arg1[%get3A, %get3A_0] : memref<4x128xf32, #tpu.memory_space<vmem>>, vector<4x128xf32>
    %get3A_2 = arith.constant 0 : index
    %get3A_3 = arith.constant 0 : index
    %get3A_4 = vector.load %arg0[%get3A_2, %get3A_3] : memref<10000x128xf32, #tpu.memory_space<vmem>>, vector<10000x128xf32>
    %dot_general3A = arith.constant dense<0.000000e+00> : vector<4x10000xf32>
    %dot_general3A_5 = tpu.matmul %get3A_1, %get3A_4, %dot_general3A {dimension_numbers = #tpu.dot_dimension_numbers<[1], [1], [0], [0], [0, 0, 1, 0], [], []>, precision = #tpu.contract_precision<fp32>, transpose_lhs_hint = false} : vector<4x128xf32>, vector<10000x128xf32>, vector<4x10000xf32> -> vector<4x10000xf32>
    %slice3A = vector.extract_strided_slice %dot_general3A_5 {offsets = [0, 0], sizes = [1, 10000], strides = [1, 1]} : vector<4x10000xf32> to vector<1x10000xf32>
    %squeeze3A = vector.shape_cast %slice3A : vector<1x10000xf32> to vector<10000xf32>
    %swap3A = arith.constant 0 : index
    %swap3A_6 = vector.load %arg2[%swap3A] : memref<40000xf32, #tpu.memory_space<vmem>>, vector<10000xf32>
    tpu.vector_store %arg2[%swap3A], %squeeze3A {strides = array<i32>} : memref<40000xf32, #tpu.memory_space<vmem>>, vector<10000xf32>,
    %slice3A_7 = vector.extract_strided_slice %dot_general3A_5 {offsets = [1, 0], sizes = [1, 10000], strides = [1, 1]} : vector<4x10000xf32> to vector<1x10000xf32>
    %squeeze3A_8 = vector.shape_cast %slice3A_7 : vector<1x10000xf32> to vector<10000xf32>
    %swap3A_9 = arith.constant 10000 : index
    %swap3A_10 = vector.load %arg2[%swap3A_9] : memref<40000xf32, #tpu.memory_space<vmem>>, vector<10000xf32>
    tpu.vector_store %arg2[%swap3A_9], %squeeze3A_8 {strides = array<i32>} : memref<40000xf32, #tpu.memory_space<vmem>>, vector<10000xf32>,
    %slice3A_11 = vector.extract_strided_slice %dot_general3A_5 {offsets = [2, 0], sizes = [1, 10000], strides = [1, 1]} : vector<4x10000xf32> to vector<1x10000xf32>
    %squeeze3A_12 = vector.shape_cast %slice3A_11 : vector<1x10000xf32> to vector<10000xf32>
    %swap3A_13 = arith.constant 20000 : index
    %swap3A_14 = vector.load %arg2[%swap3A_13] : memref<40000xf32, #tpu.memory_space<vmem>>, vector<10000xf32>
    tpu.vector_store %arg2[%swap3A_13], %squeeze3A_12 {strides = array<i32>} : memref<40000xf32, #tpu.memory_space<vmem>>, vector<10000xf32>,
    %slice3A_15 = vector.extract_strided_slice %dot_general3A_5 {offsets = [3, 0], sizes = [1, 10000], strides = [1, 1]} : vector<4x10000xf32> to vector<1x10000xf32>
    %squeeze3A_16 = vector.shape_cast %slice3A_15 : vector<1x10000xf32> to vector<10000xf32>
    %swap3A_17 = arith.constant 30000 : index
    %swap3A_18 = vector.load %arg2[%swap3A_17] : memref<40000xf32, #tpu.memory_space<vmem>>, vector<10000xf32>
    tpu.vector_store %arg2[%swap3A_17], %squeeze3A_16 {strides = array<i32>} : memref<40000xf32, #tpu.memory_space<vmem>>, vector<10000xf32>,
    return
  }
}

module attributes {stable_mosaic.version = 14 : i64} {
  func.func @_tc_layer_body(%arg0: memref<1282048xf32, #tpu.memory_space<vmem>>, %arg1: memref<40000xf32, #tpu.memory_space<vmem>>, %arg2: memref<10000xf32, #tpu.memory_space<vmem>>, %arg3: memref<4x4xf32, #tpu.memory_space<vmem>>, %arg4: memref<4x1xf32, #tpu.memory_space<vmem>>, %arg5: memref<40000xf32, #tpu.memory_space<vmem>>) attributes {dimension_semantics = [], scalar_prefetch = 0 : i64, scratch_operands = 0 : i64, tpu.core_type = #tpu.core_type<tc>} {
    %get3A = arith.constant 0 : index
    %get3A_0 = vector.load %arg0[%get3A] : memref<1282048xf32, #tpu.memory_space<vmem>>, vector<40000xf32>
    %get3A_1 = arith.constant 40064 : index
    %get3A_2 = vector.load %arg0[%get3A_1] : memref<1282048xf32, #tpu.memory_space<vmem>>, vector<40000xf32>
    %add3A = arith.addf %get3A_0, %get3A_2 : vector<40000xf32>
    %get3A_3 = arith.constant 80128 : index
    %get3A_4 = vector.load %arg0[%get3A_3] : memref<1282048xf32, #tpu.memory_space<vmem>>, vector<40000xf32>
    %add3A_5 = arith.addf %add3A, %get3A_4 : vector<40000xf32>
    %get3A_6 = arith.constant 120192 : index
    %get3A_7 = vector.load %arg0[%get3A_6] : memref<1282048xf32, #tpu.memory_space<vmem>>, vector<40000xf32>
    %add3A_8 = arith.addf %add3A_5, %get3A_7 : vector<40000xf32>
    %get3A_9 = arith.constant 160256 : index
    %get3A_10 = vector.load %arg0[%get3A_9] : memref<1282048xf32, #tpu.memory_space<vmem>>, vector<40000xf32>
    %add3A_11 = arith.addf %add3A_8, %get3A_10 : vector<40000xf32>
    %get3A_12 = arith.constant 200320 : index
    %get3A_13 = vector.load %arg0[%get3A_12] : memref<1282048xf32, #tpu.memory_space<vmem>>, vector<40000xf32>
    %add3A_14 = arith.addf %add3A_11, %get3A_13 : vector<40000xf32>
    %get3A_15 = arith.constant 240384 : index
    %get3A_16 = vector.load %arg0[%get3A_15] : memref<1282048xf32, #tpu.memory_space<vmem>>, vector<40000xf32>
    %add3A_17 = arith.addf %add3A_14, %get3A_16 : vector<40000xf32>
    %get3A_18 = arith.constant 280448 : index
    %get3A_19 = vector.load %arg0[%get3A_18] : memref<1282048xf32, #tpu.memory_space<vmem>>, vector<40000xf32>
    %add3A_20 = arith.addf %add3A_17, %get3A_19 : vector<40000xf32>
    %get3A_21 = arith.constant 320512 : index
    %get3A_22 = vector.load %arg0[%get3A_21] : memref<1282048xf32, #tpu.memory_space<vmem>>, vector<40000xf32>
    %add3A_23 = arith.addf %add3A_20, %get3A_22 : vector<40000xf32>
    %get3A_24 = arith.constant 360576 : index
    %get3A_25 = vector.load %arg0[%get3A_24] : memref<1282048xf32, #tpu.memory_space<vmem>>, vector<40000xf32>
    %add3A_26 = arith.addf %add3A_23, %get3A_25 : vector<40000xf32>
    %get3A_27 = arith.constant 400640 : index
    %get3A_28 = vector.load %arg0[%get3A_27] : memref<1282048xf32, #tpu.memory_space<vmem>>, vector<40000xf32>
    %add3A_29 = arith.addf %add3A_26, %get3A_28 : vector<40000xf32>
    %get3A_30 = arith.constant 440704 : index
    %get3A_31 = vector.load %arg0[%get3A_30] : memref<1282048xf32, #tpu.memory_space<vmem>>, vector<40000xf32>
    %add3A_32 = arith.addf %add3A_29, %get3A_31 : vector<40000xf32>
    %get3A_33 = arith.constant 480768 : index
    %get3A_34 = vector.load %arg0[%get3A_33] : memref<1282048xf32, #tpu.memory_space<vmem>>, vector<40000xf32>
    %add3A_35 = arith.addf %add3A_32, %get3A_34 : vector<40000xf32>
    %get3A_36 = arith.constant 520832 : index
    %get3A_37 = vector.load %arg0[%get3A_36] : memref<1282048xf32, #tpu.memory_space<vmem>>, vector<40000xf32>
    %add3A_38 = arith.addf %add3A_35, %get3A_37 : vector<40000xf32>
    %get3A_39 = arith.constant 560896 : index
    %get3A_40 = vector.load %arg0[%get3A_39] : memref<1282048xf32, #tpu.memory_space<vmem>>, vector<40000xf32>
    %add3A_41 = arith.addf %add3A_38, %get3A_40 : vector<40000xf32>
    %get3A_42 = arith.constant 600960 : index
    %get3A_43 = vector.load %arg0[%get3A_42] : memref<1282048xf32, #tpu.memory_space<vmem>>, vector<40000xf32>
    %add3A_44 = arith.addf %add3A_41, %get3A_43 : vector<40000xf32>
    %get3A_45 = arith.constant 641024 : index
    %get3A_46 = vector.load %arg0[%get3A_45] : memref<1282048xf32, #tpu.memory_space<vmem>>, vector<40000xf32>
    %add3A_47 = arith.addf %add3A_44, %get3A_46 : vector<40000xf32>
    %get3A_48 = arith.constant 681088 : index
    %get3A_49 = vector.load %arg0[%get3A_48] : memref<1282048xf32, #tpu.memory_space<vmem>>, vector<40000xf32>
    %add3A_50 = arith.addf %add3A_47, %get3A_49 : vector<40000xf32>
    %get3A_51 = arith.constant 721152 : index
    %get3A_52 = vector.load %arg0[%get3A_51] : memref<1282048xf32, #tpu.memory_space<vmem>>, vector<40000xf32>
    %add3A_53 = arith.addf %add3A_50, %get3A_52 : vector<40000xf32>
    %get3A_54 = arith.constant 761216 : index
    %get3A_55 = vector.load %arg0[%get3A_54] : memref<1282048xf32, #tpu.memory_space<vmem>>, vector<40000xf32>
    %add3A_56 = arith.addf %add3A_53, %get3A_55 : vector<40000xf32>
    %get3A_57 = arith.constant 801280 : index
    %get3A_58 = vector.load %arg0[%get3A_57] : memref<1282048xf32, #tpu.memory_space<vmem>>, vector<40000xf32>
    %add3A_59 = arith.addf %add3A_56, %get3A_58 : vector<40000xf32>
    %get3A_60 = arith.constant 841344 : index
    %get3A_61 = vector.load %arg0[%get3A_60] : memref<1282048xf32, #tpu.memory_space<vmem>>, vector<40000xf32>
    %add3A_62 = arith.addf %add3A_59, %get3A_61 : vector<40000xf32>
    %get3A_63 = arith.constant 881408 : index
    %get3A_64 = vector.load %arg0[%get3A_63] : memref<1282048xf32, #tpu.memory_space<vmem>>, vector<40000xf32>
    %add3A_65 = arith.addf %add3A_62, %get3A_64 : vector<40000xf32>
    %get3A_66 = arith.constant 921472 : index
    %get3A_67 = vector.load %arg0[%get3A_66] : memref<1282048xf32, #tpu.memory_space<vmem>>, vector<40000xf32>
    %add3A_68 = arith.addf %add3A_65, %get3A_67 : vector<40000xf32>
    %get3A_69 = arith.constant 961536 : index
    %get3A_70 = vector.load %arg0[%get3A_69] : memref<1282048xf32, #tpu.memory_space<vmem>>, vector<40000xf32>
    %add3A_71 = arith.addf %add3A_68, %get3A_70 : vector<40000xf32>
    %get3A_72 = arith.constant 1001600 : index
    %get3A_73 = vector.load %arg0[%get3A_72] : memref<1282048xf32, #tpu.memory_space<vmem>>, vector<40000xf32>
    %add3A_74 = arith.addf %add3A_71, %get3A_73 : vector<40000xf32>
    %get3A_75 = arith.constant 1041664 : index
    %get3A_76 = vector.load %arg0[%get3A_75] : memref<1282048xf32, #tpu.memory_space<vmem>>, vector<40000xf32>
    %add3A_77 = arith.addf %add3A_74, %get3A_76 : vector<40000xf32>
    %get3A_78 = arith.constant 1081728 : index
    %get3A_79 = vector.load %arg0[%get3A_78] : memref<1282048xf32, #tpu.memory_space<vmem>>, vector<40000xf32>
    %add3A_80 = arith.addf %add3A_77, %get3A_79 : vector<40000xf32>
    %get3A_81 = arith.constant 1121792 : index
    %get3A_82 = vector.load %arg0[%get3A_81] : memref<1282048xf32, #tpu.memory_space<vmem>>, vector<40000xf32>
    %add3A_83 = arith.addf %add3A_80, %get3A_82 : vector<40000xf32>
    %get3A_84 = arith.constant 1161856 : index
    %get3A_85 = vector.load %arg0[%get3A_84] : memref<1282048xf32, #tpu.memory_space<vmem>>, vector<40000xf32>
    %add3A_86 = arith.addf %add3A_83, %get3A_85 : vector<40000xf32>
    %get3A_87 = arith.constant 1201920 : index
    %get3A_88 = vector.load %arg0[%get3A_87] : memref<1282048xf32, #tpu.memory_space<vmem>>, vector<40000xf32>
    %add3A_89 = arith.addf %add3A_86, %get3A_88 : vector<40000xf32>
    %get3A_90 = arith.constant 1241984 : index
    %get3A_91 = vector.load %arg0[%get3A_90] : memref<1282048xf32, #tpu.memory_space<vmem>>, vector<40000xf32>
    %add3A_92 = arith.addf %add3A_89, %get3A_91 : vector<40000xf32>
    %get3A_93 = arith.constant 0 : index
    %get3A_94 = vector.load %arg1[%get3A_93] : memref<40000xf32, #tpu.memory_space<vmem>>, vector<40000xf32>
    %add3A_95 = arith.addf %add3A_92, %get3A_94 : vector<40000xf32>
    %slice3A = vector.extract_strided_slice %add3A_95 {offsets = [0], sizes = [10000], strides = [1]} : vector<40000xf32> to vector<10000xf32>
    %broadcast_in_dim3A = vector.shape_cast %slice3A : vector<10000xf32> to vector<1x10000xf32>
    %slice3A_96 = vector.extract_strided_slice %add3A_95 {offsets = [10000], sizes = [10000], strides = [1]} : vector<40000xf32> to vector<10000xf32>
    %broadcast_in_dim3A_97 = vector.shape_cast %slice3A_96 : vector<10000xf32> to vector<1x10000xf32>
    %slice3A_98 = vector.extract_strided_slice %add3A_95 {offsets = [20000], sizes = [10000], strides = [1]} : vector<40000xf32> to vector<10000xf32>
    %broadcast_in_dim3A_99 = vector.shape_cast %slice3A_98 : vector<10000xf32> to vector<1x10000xf32>
    %slice3A_100 = vector.extract_strided_slice %add3A_95 {offsets = [30000], sizes = [10000], strides = [1]} : vector<40000xf32> to vector<10000xf32>
    %broadcast_in_dim3A_101 = vector.shape_cast %slice3A_100 : vector<10000xf32> to vector<1x10000xf32>
    %concatenate3A = tpu.concatenate %broadcast_in_dim3A, %broadcast_in_dim3A_97, %broadcast_in_dim3A_99, %broadcast_in_dim3A_101 in 0 : vector<1x10000xf32>, vector<1x10000xf32>, vector<1x10000xf32>, vector<1x10000xf32> -> vector<4x10000xf32>
    %get3A_102 = arith.constant 0 : index
    %get3A_103 = vector.load %arg2[%get3A_102] : memref<10000xf32, #tpu.memory_space<vmem>>, vector<10000xf32>
    %broadcast_in_dim3A_104 = vector.shape_cast %get3A_103 : vector<10000xf32> to vector<1x10000xf32>
    %mul3A = vector.broadcast %broadcast_in_dim3A_104 : vector<1x10000xf32> to vector<4x10000xf32>
    %mul3A_105 = arith.mulf %mul3A, %concatenate3A : vector<4x10000xf32>
    %get3A_106 = arith.constant 0 : index
    %get3A_107 = arith.constant 0 : index
    %get3A_108 = vector.load %arg4[%get3A_106, %get3A_107] : memref<4x1xf32, #tpu.memory_space<vmem>>, vector<4x1xf32>
    %add3A_109 = vector.broadcast %get3A_108 : vector<4x1xf32> to vector<4x10000xf32>
    %add3A_110 = arith.addf %mul3A_105, %add3A_109 : vector<4x10000xf32>
    %max3A = arith.constant 0.000000e+00 : f32
    %max3A_111 = vector.broadcast %max3A : f32 to vector<4x10000xf32>
    %max3A_112 = arith.maximumf %add3A_110, %max3A_111 : vector<4x10000xf32>
    %get3A_113 = arith.constant 0 : index
    %get3A_114 = arith.constant 0 : index
    %get3A_115 = vector.load %arg3[%get3A_113, %get3A_114] : memref<4x4xf32, #tpu.memory_space<vmem>>, vector<4x4xf32>
    %dot_general3A = arith.constant dense<0.000000e+00> : vector<4x10000xf32>
    %dot_general3A_116 = tpu.matmul %get3A_115, %max3A_112, %dot_general3A {dimension_numbers = #tpu.dot_dimension_numbers<[1], [0], [0], [1], [0, 0, 1, 1], [], []>, transpose_lhs_hint = false} : vector<4x4xf32>, vector<4x10000xf32>, vector<4x10000xf32> -> vector<4x10000xf32>
    %mul3A_117 = vector.broadcast %broadcast_in_dim3A_104 : vector<1x10000xf32> to vector<4x10000xf32>
    %mul3A_118 = arith.mulf %dot_general3A_116, %mul3A_117 : vector<4x10000xf32>
    %slice3A_119 = vector.extract_strided_slice %mul3A_118 {offsets = [0, 0], sizes = [1, 10000], strides = [1, 1]} : vector<4x10000xf32> to vector<1x10000xf32>
    %squeeze3A = vector.shape_cast %slice3A_119 : vector<1x10000xf32> to vector<10000xf32>
    %swap3A = arith.constant 0 : index
    %swap3A_120 = vector.load %arg5[%swap3A] : memref<40000xf32, #tpu.memory_space<vmem>>, vector<10000xf32>
    tpu.vector_store %arg5[%swap3A], %squeeze3A {strides = array<i32>} : memref<40000xf32, #tpu.memory_space<vmem>>, vector<10000xf32>,
    %slice3A_121 = vector.extract_strided_slice %mul3A_118 {offsets = [1, 0], sizes = [1, 10000], strides = [1, 1]} : vector<4x10000xf32> to vector<1x10000xf32>
    %squeeze3A_122 = vector.shape_cast %slice3A_121 : vector<1x10000xf32> to vector<10000xf32>
    %swap3A_123 = arith.constant 10000 : index
    %swap3A_124 = vector.load %arg5[%swap3A_123] : memref<40000xf32, #tpu.memory_space<vmem>>, vector<10000xf32>
    tpu.vector_store %arg5[%swap3A_123], %squeeze3A_122 {strides = array<i32>} : memref<40000xf32, #tpu.memory_space<vmem>>, vector<10000xf32>,
    %slice3A_125 = vector.extract_strided_slice %mul3A_118 {offsets = [2, 0], sizes = [1, 10000], strides = [1, 1]} : vector<4x10000xf32> to vector<1x10000xf32>
    %squeeze3A_126 = vector.shape_cast %slice3A_125 : vector<1x10000xf32> to vector<10000xf32>
    %swap3A_127 = arith.constant 20000 : index
    %swap3A_128 = vector.load %arg5[%swap3A_127] : memref<40000xf32, #tpu.memory_space<vmem>>, vector<10000xf32>
    tpu.vector_store %arg5[%swap3A_127], %squeeze3A_126 {strides = array<i32>} : memref<40000xf32, #tpu.memory_space<vmem>>, vector<10000xf32>,
    %slice3A_129 = vector.extract_strided_slice %mul3A_118 {offsets = [3, 0], sizes = [1, 10000], strides = [1, 1]} : vector<4x10000xf32> to vector<1x10000xf32>
    %squeeze3A_130 = vector.shape_cast %slice3A_129 : vector<1x10000xf32> to vector<10000xf32>
    %swap3A_131 = arith.constant 30000 : index
    %swap3A_132 = vector.load %arg5[%swap3A_131] : memref<40000xf32, #tpu.memory_space<vmem>>, vector<10000xf32>
    tpu.vector_store %arg5[%swap3A_131], %squeeze3A_130 {strides = array<i32>} : memref<40000xf32, #tpu.memory_space<vmem>>, vector<10000xf32>,
    return
  }
}

module attributes {stable_mosaic.version = 14 : i64} {
  func.func @_tc_layer_body(%arg0: memref<1282048xf32, #tpu.memory_space<vmem>>, %arg1: memref<40000xf32, #tpu.memory_space<vmem>>, %arg2: memref<10000xf32, #tpu.memory_space<vmem>>, %arg3: memref<2x4xf32, #tpu.memory_space<vmem>>, %arg4: memref<4x1xf32, #tpu.memory_space<vmem>>, %arg5: memref<20000xf32, #tpu.memory_space<vmem>>) attributes {dimension_semantics = [], scalar_prefetch = 0 : i64, scratch_operands = 0 : i64, tpu.core_type = #tpu.core_type<tc>} {
    %get3A = arith.constant 0 : index
    %get3A_0 = vector.load %arg0[%get3A] : memref<1282048xf32, #tpu.memory_space<vmem>>, vector<40000xf32>
    %get3A_1 = arith.constant 40064 : index
    %get3A_2 = vector.load %arg0[%get3A_1] : memref<1282048xf32, #tpu.memory_space<vmem>>, vector<40000xf32>
    %add3A = arith.addf %get3A_0, %get3A_2 : vector<40000xf32>
    %get3A_3 = arith.constant 80128 : index
    %get3A_4 = vector.load %arg0[%get3A_3] : memref<1282048xf32, #tpu.memory_space<vmem>>, vector<40000xf32>
    %add3A_5 = arith.addf %add3A, %get3A_4 : vector<40000xf32>
    %get3A_6 = arith.constant 120192 : index
    %get3A_7 = vector.load %arg0[%get3A_6] : memref<1282048xf32, #tpu.memory_space<vmem>>, vector<40000xf32>
    %add3A_8 = arith.addf %add3A_5, %get3A_7 : vector<40000xf32>
    %get3A_9 = arith.constant 160256 : index
    %get3A_10 = vector.load %arg0[%get3A_9] : memref<1282048xf32, #tpu.memory_space<vmem>>, vector<40000xf32>
    %add3A_11 = arith.addf %add3A_8, %get3A_10 : vector<40000xf32>
    %get3A_12 = arith.constant 200320 : index
    %get3A_13 = vector.load %arg0[%get3A_12] : memref<1282048xf32, #tpu.memory_space<vmem>>, vector<40000xf32>
    %add3A_14 = arith.addf %add3A_11, %get3A_13 : vector<40000xf32>
    %get3A_15 = arith.constant 240384 : index
    %get3A_16 = vector.load %arg0[%get3A_15] : memref<1282048xf32, #tpu.memory_space<vmem>>, vector<40000xf32>
    %add3A_17 = arith.addf %add3A_14, %get3A_16 : vector<40000xf32>
    %get3A_18 = arith.constant 280448 : index
    %get3A_19 = vector.load %arg0[%get3A_18] : memref<1282048xf32, #tpu.memory_space<vmem>>, vector<40000xf32>
    %add3A_20 = arith.addf %add3A_17, %get3A_19 : vector<40000xf32>
    %get3A_21 = arith.constant 320512 : index
    %get3A_22 = vector.load %arg0[%get3A_21] : memref<1282048xf32, #tpu.memory_space<vmem>>, vector<40000xf32>
    %add3A_23 = arith.addf %add3A_20, %get3A_22 : vector<40000xf32>
    %get3A_24 = arith.constant 360576 : index
    %get3A_25 = vector.load %arg0[%get3A_24] : memref<1282048xf32, #tpu.memory_space<vmem>>, vector<40000xf32>
    %add3A_26 = arith.addf %add3A_23, %get3A_25 : vector<40000xf32>
    %get3A_27 = arith.constant 400640 : index
    %get3A_28 = vector.load %arg0[%get3A_27] : memref<1282048xf32, #tpu.memory_space<vmem>>, vector<40000xf32>
    %add3A_29 = arith.addf %add3A_26, %get3A_28 : vector<40000xf32>
    %get3A_30 = arith.constant 440704 : index
    %get3A_31 = vector.load %arg0[%get3A_30] : memref<1282048xf32, #tpu.memory_space<vmem>>, vector<40000xf32>
    %add3A_32 = arith.addf %add3A_29, %get3A_31 : vector<40000xf32>
    %get3A_33 = arith.constant 480768 : index
    %get3A_34 = vector.load %arg0[%get3A_33] : memref<1282048xf32, #tpu.memory_space<vmem>>, vector<40000xf32>
    %add3A_35 = arith.addf %add3A_32, %get3A_34 : vector<40000xf32>
    %get3A_36 = arith.constant 520832 : index
    %get3A_37 = vector.load %arg0[%get3A_36] : memref<1282048xf32, #tpu.memory_space<vmem>>, vector<40000xf32>
    %add3A_38 = arith.addf %add3A_35, %get3A_37 : vector<40000xf32>
    %get3A_39 = arith.constant 560896 : index
    %get3A_40 = vector.load %arg0[%get3A_39] : memref<1282048xf32, #tpu.memory_space<vmem>>, vector<40000xf32>
    %add3A_41 = arith.addf %add3A_38, %get3A_40 : vector<40000xf32>
    %get3A_42 = arith.constant 600960 : index
    %get3A_43 = vector.load %arg0[%get3A_42] : memref<1282048xf32, #tpu.memory_space<vmem>>, vector<40000xf32>
    %add3A_44 = arith.addf %add3A_41, %get3A_43 : vector<40000xf32>
    %get3A_45 = arith.constant 641024 : index
    %get3A_46 = vector.load %arg0[%get3A_45] : memref<1282048xf32, #tpu.memory_space<vmem>>, vector<40000xf32>
    %add3A_47 = arith.addf %add3A_44, %get3A_46 : vector<40000xf32>
    %get3A_48 = arith.constant 681088 : index
    %get3A_49 = vector.load %arg0[%get3A_48] : memref<1282048xf32, #tpu.memory_space<vmem>>, vector<40000xf32>
    %add3A_50 = arith.addf %add3A_47, %get3A_49 : vector<40000xf32>
    %get3A_51 = arith.constant 721152 : index
    %get3A_52 = vector.load %arg0[%get3A_51] : memref<1282048xf32, #tpu.memory_space<vmem>>, vector<40000xf32>
    %add3A_53 = arith.addf %add3A_50, %get3A_52 : vector<40000xf32>
    %get3A_54 = arith.constant 761216 : index
    %get3A_55 = vector.load %arg0[%get3A_54] : memref<1282048xf32, #tpu.memory_space<vmem>>, vector<40000xf32>
    %add3A_56 = arith.addf %add3A_53, %get3A_55 : vector<40000xf32>
    %get3A_57 = arith.constant 801280 : index
    %get3A_58 = vector.load %arg0[%get3A_57] : memref<1282048xf32, #tpu.memory_space<vmem>>, vector<40000xf32>
    %add3A_59 = arith.addf %add3A_56, %get3A_58 : vector<40000xf32>
    %get3A_60 = arith.constant 841344 : index
    %get3A_61 = vector.load %arg0[%get3A_60] : memref<1282048xf32, #tpu.memory_space<vmem>>, vector<40000xf32>
    %add3A_62 = arith.addf %add3A_59, %get3A_61 : vector<40000xf32>
    %get3A_63 = arith.constant 881408 : index
    %get3A_64 = vector.load %arg0[%get3A_63] : memref<1282048xf32, #tpu.memory_space<vmem>>, vector<40000xf32>
    %add3A_65 = arith.addf %add3A_62, %get3A_64 : vector<40000xf32>
    %get3A_66 = arith.constant 921472 : index
    %get3A_67 = vector.load %arg0[%get3A_66] : memref<1282048xf32, #tpu.memory_space<vmem>>, vector<40000xf32>
    %add3A_68 = arith.addf %add3A_65, %get3A_67 : vector<40000xf32>
    %get3A_69 = arith.constant 961536 : index
    %get3A_70 = vector.load %arg0[%get3A_69] : memref<1282048xf32, #tpu.memory_space<vmem>>, vector<40000xf32>
    %add3A_71 = arith.addf %add3A_68, %get3A_70 : vector<40000xf32>
    %get3A_72 = arith.constant 1001600 : index
    %get3A_73 = vector.load %arg0[%get3A_72] : memref<1282048xf32, #tpu.memory_space<vmem>>, vector<40000xf32>
    %add3A_74 = arith.addf %add3A_71, %get3A_73 : vector<40000xf32>
    %get3A_75 = arith.constant 1041664 : index
    %get3A_76 = vector.load %arg0[%get3A_75] : memref<1282048xf32, #tpu.memory_space<vmem>>, vector<40000xf32>
    %add3A_77 = arith.addf %add3A_74, %get3A_76 : vector<40000xf32>
    %get3A_78 = arith.constant 1081728 : index
    %get3A_79 = vector.load %arg0[%get3A_78] : memref<1282048xf32, #tpu.memory_space<vmem>>, vector<40000xf32>
    %add3A_80 = arith.addf %add3A_77, %get3A_79 : vector<40000xf32>
    %get3A_81 = arith.constant 1121792 : index
    %get3A_82 = vector.load %arg0[%get3A_81] : memref<1282048xf32, #tpu.memory_space<vmem>>, vector<40000xf32>
    %add3A_83 = arith.addf %add3A_80, %get3A_82 : vector<40000xf32>
    %get3A_84 = arith.constant 1161856 : index
    %get3A_85 = vector.load %arg0[%get3A_84] : memref<1282048xf32, #tpu.memory_space<vmem>>, vector<40000xf32>
    %add3A_86 = arith.addf %add3A_83, %get3A_85 : vector<40000xf32>
    %get3A_87 = arith.constant 1201920 : index
    %get3A_88 = vector.load %arg0[%get3A_87] : memref<1282048xf32, #tpu.memory_space<vmem>>, vector<40000xf32>
    %add3A_89 = arith.addf %add3A_86, %get3A_88 : vector<40000xf32>
    %get3A_90 = arith.constant 1241984 : index
    %get3A_91 = vector.load %arg0[%get3A_90] : memref<1282048xf32, #tpu.memory_space<vmem>>, vector<40000xf32>
    %add3A_92 = arith.addf %add3A_89, %get3A_91 : vector<40000xf32>
    %get3A_93 = arith.constant 0 : index
    %get3A_94 = vector.load %arg1[%get3A_93] : memref<40000xf32, #tpu.memory_space<vmem>>, vector<40000xf32>
    %add3A_95 = arith.addf %add3A_92, %get3A_94 : vector<40000xf32>
    %slice3A = vector.extract_strided_slice %add3A_95 {offsets = [0], sizes = [10000], strides = [1]} : vector<40000xf32> to vector<10000xf32>
    %broadcast_in_dim3A = vector.shape_cast %slice3A : vector<10000xf32> to vector<1x10000xf32>
    %slice3A_96 = vector.extract_strided_slice %add3A_95 {offsets = [10000], sizes = [10000], strides = [1]} : vector<40000xf32> to vector<10000xf32>
    %broadcast_in_dim3A_97 = vector.shape_cast %slice3A_96 : vector<10000xf32> to vector<1x10000xf32>
    %slice3A_98 = vector.extract_strided_slice %add3A_95 {offsets = [20000], sizes = [10000], strides = [1]} : vector<40000xf32> to vector<10000xf32>
    %broadcast_in_dim3A_99 = vector.shape_cast %slice3A_98 : vector<10000xf32> to vector<1x10000xf32>
    %slice3A_100 = vector.extract_strided_slice %add3A_95 {offsets = [30000], sizes = [10000], strides = [1]} : vector<40000xf32> to vector<10000xf32>
    %broadcast_in_dim3A_101 = vector.shape_cast %slice3A_100 : vector<10000xf32> to vector<1x10000xf32>
    %concatenate3A = tpu.concatenate %broadcast_in_dim3A, %broadcast_in_dim3A_97, %broadcast_in_dim3A_99, %broadcast_in_dim3A_101 in 0 : vector<1x10000xf32>, vector<1x10000xf32>, vector<1x10000xf32>, vector<1x10000xf32> -> vector<4x10000xf32>
    %get3A_102 = arith.constant 0 : index
    %get3A_103 = vector.load %arg2[%get3A_102] : memref<10000xf32, #tpu.memory_space<vmem>>, vector<10000xf32>
    %broadcast_in_dim3A_104 = vector.shape_cast %get3A_103 : vector<10000xf32> to vector<1x10000xf32>
    %mul3A = vector.broadcast %broadcast_in_dim3A_104 : vector<1x10000xf32> to vector<4x10000xf32>
    %mul3A_105 = arith.mulf %mul3A, %concatenate3A : vector<4x10000xf32>
    %get3A_106 = arith.constant 0 : index
    %get3A_107 = arith.constant 0 : index
    %get3A_108 = vector.load %arg4[%get3A_106, %get3A_107] : memref<4x1xf32, #tpu.memory_space<vmem>>, vector<4x1xf32>
    %add3A_109 = vector.broadcast %get3A_108 : vector<4x1xf32> to vector<4x10000xf32>
    %add3A_110 = arith.addf %mul3A_105, %add3A_109 : vector<4x10000xf32>
    %max3A = arith.constant 0.000000e+00 : f32
    %max3A_111 = vector.broadcast %max3A : f32 to vector<4x10000xf32>
    %max3A_112 = arith.maximumf %add3A_110, %max3A_111 : vector<4x10000xf32>
    %get3A_113 = arith.constant 0 : index
    %get3A_114 = arith.constant 0 : index
    %get3A_115 = vector.load %arg3[%get3A_113, %get3A_114] : memref<2x4xf32, #tpu.memory_space<vmem>>, vector<2x4xf32>
    %dot_general3A = arith.constant dense<0.000000e+00> : vector<2x10000xf32>
    %dot_general3A_116 = tpu.matmul %get3A_115, %max3A_112, %dot_general3A {dimension_numbers = #tpu.dot_dimension_numbers<[1], [0], [0], [1], [0, 0, 1, 1], [], []>, transpose_lhs_hint = false} : vector<2x4xf32>, vector<4x10000xf32>, vector<2x10000xf32> -> vector<2x10000xf32>
    %mul3A_117 = vector.broadcast %broadcast_in_dim3A_104 : vector<1x10000xf32> to vector<2x10000xf32>
    %mul3A_118 = arith.mulf %dot_general3A_116, %mul3A_117 : vector<2x10000xf32>
    %slice3A_119 = vector.extract_strided_slice %mul3A_118 {offsets = [0, 0], sizes = [1, 10000], strides = [1, 1]} : vector<2x10000xf32> to vector<1x10000xf32>
    %squeeze3A = vector.shape_cast %slice3A_119 : vector<1x10000xf32> to vector<10000xf32>
    %swap3A = arith.constant 0 : index
    %swap3A_120 = vector.load %arg5[%swap3A] : memref<20000xf32, #tpu.memory_space<vmem>>, vector<10000xf32>
    tpu.vector_store %arg5[%swap3A], %squeeze3A {strides = array<i32>} : memref<20000xf32, #tpu.memory_space<vmem>>, vector<10000xf32>,
    %slice3A_121 = vector.extract_strided_slice %mul3A_118 {offsets = [1, 0], sizes = [1, 10000], strides = [1, 1]} : vector<2x10000xf32> to vector<1x10000xf32>
    %squeeze3A_122 = vector.shape_cast %slice3A_121 : vector<1x10000xf32> to vector<10000xf32>
    %swap3A_123 = arith.constant 10000 : index
    %swap3A_124 = vector.load %arg5[%swap3A_123] : memref<20000xf32, #tpu.memory_space<vmem>>, vector<10000xf32>
    tpu.vector_store %arg5[%swap3A_123], %squeeze3A_122 {strides = array<i32>} : memref<20000xf32, #tpu.memory_space<vmem>>, vector<10000xf32>,
    return
  }
}

module attributes {stable_mosaic.version = 14 : i64} {
  func.func @_tc_final_body(%arg0: memref<643072xf32, #tpu.memory_space<vmem>>, %arg1: memref<20000xf32, #tpu.memory_space<vmem>>, %arg2: memref<10000xf32, #tpu.memory_space<vmem>>, %arg3: memref<2x72xf32, #tpu.memory_space<vmem>>, %arg4: memref<2x1xf32, #tpu.memory_space<vmem>>, %arg5: memref<1x70xf32, #tpu.memory_space<vmem>>, %arg6: memref<10000x2xf32, #tpu.memory_space<vmem>>, %arg7: memref<10000x70xf32, #tpu.memory_space<vmem>>) attributes {dimension_semantics = [], scalar_prefetch = 0 : i64, scratch_operands = 0 : i64, tpu.core_type = #tpu.core_type<tc>} {
    %get3A = arith.constant 0 : index
    %get3A_0 = vector.load %arg0[%get3A] : memref<643072xf32, #tpu.memory_space<vmem>>, vector<20000xf32>
    %get3A_1 = arith.constant 20096 : index
    %get3A_2 = vector.load %arg0[%get3A_1] : memref<643072xf32, #tpu.memory_space<vmem>>, vector<20000xf32>
    %add3A = arith.addf %get3A_0, %get3A_2 : vector<20000xf32>
    %get3A_3 = arith.constant 40192 : index
    %get3A_4 = vector.load %arg0[%get3A_3] : memref<643072xf32, #tpu.memory_space<vmem>>, vector<20000xf32>
    %add3A_5 = arith.addf %add3A, %get3A_4 : vector<20000xf32>
    %get3A_6 = arith.constant 60288 : index
    %get3A_7 = vector.load %arg0[%get3A_6] : memref<643072xf32, #tpu.memory_space<vmem>>, vector<20000xf32>
    %add3A_8 = arith.addf %add3A_5, %get3A_7 : vector<20000xf32>
    %get3A_9 = arith.constant 80384 : index
    %get3A_10 = vector.load %arg0[%get3A_9] : memref<643072xf32, #tpu.memory_space<vmem>>, vector<20000xf32>
    %add3A_11 = arith.addf %add3A_8, %get3A_10 : vector<20000xf32>
    %get3A_12 = arith.constant 100480 : index
    %get3A_13 = vector.load %arg0[%get3A_12] : memref<643072xf32, #tpu.memory_space<vmem>>, vector<20000xf32>
    %add3A_14 = arith.addf %add3A_11, %get3A_13 : vector<20000xf32>
    %get3A_15 = arith.constant 120576 : index
    %get3A_16 = vector.load %arg0[%get3A_15] : memref<643072xf32, #tpu.memory_space<vmem>>, vector<20000xf32>
    %add3A_17 = arith.addf %add3A_14, %get3A_16 : vector<20000xf32>
    %get3A_18 = arith.constant 140672 : index
    %get3A_19 = vector.load %arg0[%get3A_18] : memref<643072xf32, #tpu.memory_space<vmem>>, vector<20000xf32>
    %add3A_20 = arith.addf %add3A_17, %get3A_19 : vector<20000xf32>
    %get3A_21 = arith.constant 160768 : index
    %get3A_22 = vector.load %arg0[%get3A_21] : memref<643072xf32, #tpu.memory_space<vmem>>, vector<20000xf32>
    %add3A_23 = arith.addf %add3A_20, %get3A_22 : vector<20000xf32>
    %get3A_24 = arith.constant 180864 : index
    %get3A_25 = vector.load %arg0[%get3A_24] : memref<643072xf32, #tpu.memory_space<vmem>>, vector<20000xf32>
    %add3A_26 = arith.addf %add3A_23, %get3A_25 : vector<20000xf32>
    %get3A_27 = arith.constant 200960 : index
    %get3A_28 = vector.load %arg0[%get3A_27] : memref<643072xf32, #tpu.memory_space<vmem>>, vector<20000xf32>
    %add3A_29 = arith.addf %add3A_26, %get3A_28 : vector<20000xf32>
    %get3A_30 = arith.constant 221056 : index
    %get3A_31 = vector.load %arg0[%get3A_30] : memref<643072xf32, #tpu.memory_space<vmem>>, vector<20000xf32>
    %add3A_32 = arith.addf %add3A_29, %get3A_31 : vector<20000xf32>
    %get3A_33 = arith.constant 241152 : index
    %get3A_34 = vector.load %arg0[%get3A_33] : memref<643072xf32, #tpu.memory_space<vmem>>, vector<20000xf32>
    %add3A_35 = arith.addf %add3A_32, %get3A_34 : vector<20000xf32>
    %get3A_36 = arith.constant 261248 : index
    %get3A_37 = vector.load %arg0[%get3A_36] : memref<643072xf32, #tpu.memory_space<vmem>>, vector<20000xf32>
    %add3A_38 = arith.addf %add3A_35, %get3A_37 : vector<20000xf32>
    %get3A_39 = arith.constant 281344 : index
    %get3A_40 = vector.load %arg0[%get3A_39] : memref<643072xf32, #tpu.memory_space<vmem>>, vector<20000xf32>
    %add3A_41 = arith.addf %add3A_38, %get3A_40 : vector<20000xf32>
    %get3A_42 = arith.constant 301440 : index
    %get3A_43 = vector.load %arg0[%get3A_42] : memref<643072xf32, #tpu.memory_space<vmem>>, vector<20000xf32>
    %add3A_44 = arith.addf %add3A_41, %get3A_43 : vector<20000xf32>
    %get3A_45 = arith.constant 321536 : index
    %get3A_46 = vector.load %arg0[%get3A_45] : memref<643072xf32, #tpu.memory_space<vmem>>, vector<20000xf32>
    %add3A_47 = arith.addf %add3A_44, %get3A_46 : vector<20000xf32>
    %get3A_48 = arith.constant 341632 : index
    %get3A_49 = vector.load %arg0[%get3A_48] : memref<643072xf32, #tpu.memory_space<vmem>>, vector<20000xf32>
    %add3A_50 = arith.addf %add3A_47, %get3A_49 : vector<20000xf32>
    %get3A_51 = arith.constant 361728 : index
    %get3A_52 = vector.load %arg0[%get3A_51] : memref<643072xf32, #tpu.memory_space<vmem>>, vector<20000xf32>
    %add3A_53 = arith.addf %add3A_50, %get3A_52 : vector<20000xf32>
    %get3A_54 = arith.constant 381824 : index
    %get3A_55 = vector.load %arg0[%get3A_54] : memref<643072xf32, #tpu.memory_space<vmem>>, vector<20000xf32>
    %add3A_56 = arith.addf %add3A_53, %get3A_55 : vector<20000xf32>
    %get3A_57 = arith.constant 401920 : index
    %get3A_58 = vector.load %arg0[%get3A_57] : memref<643072xf32, #tpu.memory_space<vmem>>, vector<20000xf32>
    %add3A_59 = arith.addf %add3A_56, %get3A_58 : vector<20000xf32>
    %get3A_60 = arith.constant 422016 : index
    %get3A_61 = vector.load %arg0[%get3A_60] : memref<643072xf32, #tpu.memory_space<vmem>>, vector<20000xf32>
    %add3A_62 = arith.addf %add3A_59, %get3A_61 : vector<20000xf32>
    %get3A_63 = arith.constant 442112 : index
    %get3A_64 = vector.load %arg0[%get3A_63] : memref<643072xf32, #tpu.memory_space<vmem>>, vector<20000xf32>
    %add3A_65 = arith.addf %add3A_62, %get3A_64 : vector<20000xf32>
    %get3A_66 = arith.constant 462208 : index
    %get3A_67 = vector.load %arg0[%get3A_66] : memref<643072xf32, #tpu.memory_space<vmem>>, vector<20000xf32>
    %add3A_68 = arith.addf %add3A_65, %get3A_67 : vector<20000xf32>
    %get3A_69 = arith.constant 482304 : index
    %get3A_70 = vector.load %arg0[%get3A_69] : memref<643072xf32, #tpu.memory_space<vmem>>, vector<20000xf32>
    %add3A_71 = arith.addf %add3A_68, %get3A_70 : vector<20000xf32>
    %get3A_72 = arith.constant 502400 : index
    %get3A_73 = vector.load %arg0[%get3A_72] : memref<643072xf32, #tpu.memory_space<vmem>>, vector<20000xf32>
    %add3A_74 = arith.addf %add3A_71, %get3A_73 : vector<20000xf32>
    %get3A_75 = arith.constant 522496 : index
    %get3A_76 = vector.load %arg0[%get3A_75] : memref<643072xf32, #tpu.memory_space<vmem>>, vector<20000xf32>
    %add3A_77 = arith.addf %add3A_74, %get3A_76 : vector<20000xf32>
    %get3A_78 = arith.constant 542592 : index
    %get3A_79 = vector.load %arg0[%get3A_78] : memref<643072xf32, #tpu.memory_space<vmem>>, vector<20000xf32>
    %add3A_80 = arith.addf %add3A_77, %get3A_79 : vector<20000xf32>
    %get3A_81 = arith.constant 562688 : index
    %get3A_82 = vector.load %arg0[%get3A_81] : memref<643072xf32, #tpu.memory_space<vmem>>, vector<20000xf32>
    %add3A_83 = arith.addf %add3A_80, %get3A_82 : vector<20000xf32>
    %get3A_84 = arith.constant 582784 : index
    %get3A_85 = vector.load %arg0[%get3A_84] : memref<643072xf32, #tpu.memory_space<vmem>>, vector<20000xf32>
    %add3A_86 = arith.addf %add3A_83, %get3A_85 : vector<20000xf32>
    %get3A_87 = arith.constant 602880 : index
    %get3A_88 = vector.load %arg0[%get3A_87] : memref<643072xf32, #tpu.memory_space<vmem>>, vector<20000xf32>
    %add3A_89 = arith.addf %add3A_86, %get3A_88 : vector<20000xf32>
    %get3A_90 = arith.constant 622976 : index
    %get3A_91 = vector.load %arg0[%get3A_90] : memref<643072xf32, #tpu.memory_space<vmem>>, vector<20000xf32>
    %add3A_92 = arith.addf %add3A_89, %get3A_91 : vector<20000xf32>
    %get3A_93 = arith.constant 0 : index
    %get3A_94 = vector.load %arg1[%get3A_93] : memref<20000xf32, #tpu.memory_space<vmem>>, vector<20000xf32>
    %add3A_95 = arith.addf %add3A_92, %get3A_94 : vector<20000xf32>
    %slice3A = vector.extract_strided_slice %add3A_95 {offsets = [0], sizes = [10000], strides = [1]} : vector<20000xf32> to vector<10000xf32>
    %broadcast_in_dim3A = vector.shape_cast %slice3A : vector<10000xf32> to vector<1x10000xf32>
    %slice3A_96 = vector.extract_strided_slice %add3A_95 {offsets = [10000], sizes = [10000], strides = [1]} : vector<20000xf32> to vector<10000xf32>
    %broadcast_in_dim3A_97 = vector.shape_cast %slice3A_96 : vector<10000xf32> to vector<1x10000xf32>
    %concatenate3A = tpu.concatenate %broadcast_in_dim3A, %broadcast_in_dim3A_97 in 0 : vector<1x10000xf32>, vector<1x10000xf32> -> vector<2x10000xf32>
    %get3A_98 = arith.constant 0 : index
    %get3A_99 = vector.load %arg2[%get3A_98] : memref<10000xf32, #tpu.memory_space<vmem>>, vector<10000xf32>
    %broadcast_in_dim3A_100 = vector.shape_cast %get3A_99 : vector<10000xf32> to vector<1x10000xf32>
    %mul3A = vector.broadcast %broadcast_in_dim3A_100 : vector<1x10000xf32> to vector<2x10000xf32>
    %mul3A_101 = arith.mulf %mul3A, %concatenate3A : vector<2x10000xf32>
    %get3A_102 = arith.constant 0 : index
    %get3A_103 = arith.constant 0 : index
    %get3A_104 = vector.load %arg4[%get3A_102, %get3A_103] : memref<2x1xf32, #tpu.memory_space<vmem>>, vector<2x1xf32>
    %add3A_105 = vector.broadcast %get3A_104 : vector<2x1xf32> to vector<2x10000xf32>
    %add3A_106 = arith.addf %mul3A_101, %add3A_105 : vector<2x10000xf32>
    %max3A = arith.constant 0.000000e+00 : f32
    %max3A_107 = vector.broadcast %max3A : f32 to vector<2x10000xf32>
    %max3A_108 = arith.maximumf %add3A_106, %max3A_107 : vector<2x10000xf32>
    %get3A_109 = arith.constant 0 : index
    %get3A_110 = arith.constant 0 : index
    %get3A_111 = vector.load %arg3[%get3A_109, %get3A_110] : memref<2x72xf32, #tpu.memory_space<vmem>>, vector<2x72xf32>
    %dot_general3A = arith.constant dense<0.000000e+00> : vector<10000x72xf32>
    %dot_general3A_112 = tpu.matmul %max3A_108, %get3A_111, %dot_general3A {dimension_numbers = #tpu.dot_dimension_numbers<[0], [0], [1], [1], [0, 1, 1, 1], [], []>, transpose_lhs_hint = false} : vector<2x10000xf32>, vector<2x72xf32>, vector<10000x72xf32> -> vector<10000x72xf32>
    %slice3A_113 = vector.extract_strided_slice %dot_general3A_112 {offsets = [0, 0], sizes = [10000, 2], strides = [1, 1]} : vector<10000x72xf32> to vector<10000x2xf32>
    %swap3A = arith.constant 0 : index
    %swap3A_114 = arith.constant 0 : index
    %swap3A_115 = vector.load %arg6[%swap3A, %swap3A_114] : memref<10000x2xf32, #tpu.memory_space<vmem>>, vector<10000x2xf32>
    tpu.vector_store %arg6[%swap3A, %swap3A_114], %slice3A_113 {strides = array<i32>} : memref<10000x2xf32, #tpu.memory_space<vmem>>, vector<10000x2xf32>,
    %slice3A_116 = vector.extract_strided_slice %dot_general3A_112 {offsets = [0, 2], sizes = [10000, 70], strides = [1, 1]} : vector<10000x72xf32> to vector<10000x70xf32>
    %get3A_117 = arith.constant 0 : index
    %get3A_118 = arith.constant 0 : index
    %get3A_119 = vector.load %arg5[%get3A_117, %get3A_118] : memref<1x70xf32, #tpu.memory_space<vmem>>, vector<1x70xf32>
    %add3A_120 = vector.broadcast %get3A_119 : vector<1x70xf32> to vector<10000x70xf32>
    %add3A_121 = arith.addf %slice3A_116, %add3A_120 : vector<10000x70xf32>
    %swap3A_122 = arith.constant 0 : index
    %swap3A_123 = arith.constant 0 : index
    %swap3A_124 = vector.load %arg7[%swap3A_122, %swap3A_123] : memref<10000x70xf32, #tpu.memory_space<vmem>>, vector<10000x70xf32>
    tpu.vector_store %arg7[%swap3A_122, %swap3A_123], %add3A_121 {strides = array<i32>} : memref<10000x70xf32, #tpu.memory_space<vmem>>, vector<10000x70xf32>,
    return
  }
}

</mosaic_0001>

<sc_bundles>
// kernel: kernel.11.cloned.1.call-start
scs
__scs_entry_jumppad:
0x0: {  	(pc) =	sbr.rel $0x88, $3  }
0x1: {  	(tag) =	ssettag $0x0;
	lr =	simm.s32 $0x1  }
0x2: {  	[smem:$0x3F97] =	sst lr;
	_ =	strace $0xD0000000  }
0x3: {  	_ = 	snop  }
0x4: {  	_ = 	snop  }
0x5: {  	_ = 	snop  }
0x6: {  	_ = 	snop  }
0x7: {  	_ = 	snop  }
__scs_overlays_trampoline_lowered:
0x8: {  	[smem:$0x3FA6] =	sst s0  }
0x9: {  	[smem:$0x3FA7] =	sst s1  }
0xa: {  	[smem:$0x3FA8] =	sst s2  }
0xb: {  	[smem:$0x3FA9] =	sst s3  }
0xc: {  	[smem:$0x3FAA] =	sst s4  }
0xd: {  	[smem:$0x3FAB] =	sst s5  }
0xe: {  	[smem:$0x3FAC] =	sst s6  }
0xf: {  	[smem:$0x3FAD] =	sst s7  }
0x10: {  	[smem:$0x3FAE] =	sst s8  }
0x11: {  	[smem:$0x3FAF] =	sst s9;
	s0 =	simm.s32 @!p0 $0x0  }
0x12: {  	s1 =	sld [smem:$0x3F95];
	s0 =	simm.s32 @p0 $0x1  }
0x13: {  	[smem:$0x3FB0] =	sst s0;
	s0 =	simm.s32 @!p1 $0x0  }
0x14: {  	s2 =	sld [smem:$0x3F94];
	s0 =	simm.s32 @p1 $0x1  }
0x15: {  	[smem:$0x3FB1] =	sst s0;
	s0 =	simm.s32 @!p2 $0x0  }
0x16: {  	s3 =	sld [smem:$0x3FDB];
	s0 =	simm.s32 @p2 $0x1  }
0x17: {  	s4 =	simm.s32 $0x1BF5;
	[smem:$0x3FB3] =	sst s0  }
0x18: {  	s0 =	sld [smem:$0x3F96];
	_ =	swait.ge [sflag:s4], $0x0  }
0x19: {  	s7 =	sld [smem:$0x3F97]  }
0x1a: {  	s8 =	sadd.s32 $0xFFFFE003, lr  }
0x1b: {  	s9 =	sadd.s32 $0xFFFFFEF7, lr;
	s5 =	simm.s32 $0xFFFFFFFF;
	p2 =	slt.u32 s8, $0xFFFFF086  }
0x1c: {  	p1 =	slt.u32 s9, $0xF7A;
	s5 =	simm.s32 @!p2 $0x0  }
0x1d: {  	s5 =	simm.s32 @p1 $0x1;
	p0 =	seq.s32 s7, s2  }
0x1e: {  	s7 =	smul.u32 @!p0 $0xF7A, s2;
	p2 =	seq.s32 @!p0 s5, $0x0  }
0x1f: {  	s9 =	smul.u32 $0xF7A, s1;
	s8 =	simm.s32 @!p0 $0x1BF5;
	p2 =	por !p2, p0  }
0x20: {  	[sflag:s8] =	ssyncset.s32 @!p0 $0xFFFFF086;
	s6 =	sadd.s32 @!p0 s3, s7;
	s7 =	simm.s32 @!p0 $0x108  }
0x21: {  	s3 =	sadd.s32 s3, s9;
	s6 =	sadd.s32 @!p0 $0x88, s6;
	s7 =	simm.s32 @p2 $0x1082  }
0x22: {  	[simem:s7], [sflag:s8] =	dma.local @!p0 [hbm:s6], $0xF7A  }
0x23: {  	s9 =	sor.u32 $0xD0000000, s2;
	s6 =	simm.s32 $0x108;
	_ =	swait.ge @!p0 [sflag:s8], $0x0  }
0x24: {  	s3 =	sadd.s32 $0x88, s3;
	s6 =	simm.s32 @!p1 $0x1082;
	[sflag:s4] =	ssyncset.s32 $0xFFFFF086  }
0x25: {  	[simem:s6], [sflag:s4] =	dma.local [hbm:s3], $0xF7A  }
0x26: {  	[smem:$0x3F97] =	sst s1;
	(tag) =	ssettag s2;
	_ =	strace s9  }
0x27: {  	s1 =	sld [smem:$0x3FA7]  }
0x28: {  	s2 =	sld [smem:$0x3FA8]  }
0x29: {  	s4 =	sld [smem:$0x3FAA]  }
0x2a: {  	p0 =	seq.s32 s5, $0x0;
	s5 =	sld [smem:$0x3FAB]  }
0x2b: {  	s6 =	sld [smem:$0x3FAC]  }
0x2c: {  	s7 =	sld [smem:$0x3FAD]  }
0x2d: {  	s3 =	simm.s32 $0x108;
	s8 =	sld [smem:$0x3FAE]  }
0x2e: {  	s3 =	simm.s32 @!p0 $0x1082;
	s9 =	sld [smem:$0x3FAF]  }
0x2f: {  	lr =	sadd.s32 s0, s3;
	s0 =	sld [smem:$0x3FA6]  }
0x30: {  	s3 =	sld [smem:$0x3FA9]  }
0x31: {  	[smem:$0x3FB2] =	sst s10  }
0x32: {  	s10 =	sld [smem:$0x3FB0];
	_ =	sdelay $0x3  }
0x33: {  	p0 =	seq.s32 s10, $0x1;
	s10 =	sld [smem:$0x3FB2];
	_ =	sdelay $0x3  }
0x34: {  	[smem:$0x3FB2] =	sst s10  }
0x35: {  	s10 =	sld [smem:$0x3FB1];
	_ =	sdelay $0x3  }
0x36: {  	p1 =	seq.s32 s10, $0x1;
	s10 =	sld [smem:$0x3FB2];
	_ =	sdelay $0x3  }
0x37: {  	[smem:$0x3FB2] =	sst s10  }
0x38: {  	s10 =	sld [smem:$0x3FB3]  }
0x39: {  	_ = 	snop;
	(pc) =	sbr.ind lr, $3  }
0x3a: {  	_ = 	snop  }
0x3b: {  	_ = 	snop  }
0x3c: {  	p2 =	seq.s32 s10, $0x1;
	s10 =	sld [smem:$0x3FB2]  }
0x3d: {  	_ =	shalt  }
0x3e: {  	_ =	shalt  }
0x3f: {  	_ =	shalt  }
0x40: {  	_ =	shalt  }
0x41: {  	_ =	shalt  }
0x42: {  	_ =	shalt  }
0x43: {  	_ =	shalt  }
0x44: {  	_ =	shalt  }
0x45: {  	_ =	shalt  }
0x46: {  	_ =	shalt  }
0x47: {  	_ =	shalt  }
0x48: {  	_ =	shalt  }
0x49: {  	_ =	shalt  }
0x4a: {  	_ =	shalt  }
0x4b: {  	_ =	shalt  }
0x4c: {  	_ =	shalt  }
0x4d: {  	_ =	shalt  }
0x4e: {  	_ =	shalt  }
0x4f: {  	_ =	shalt  }
0x50: {  	_ =	shalt  }
0x51: {  	_ =	shalt  }
0x52: {  	_ =	shalt  }
0x53: {  	_ =	shalt  }
0x54: {  	_ =	shalt  }
0x55: {  	_ =	shalt  }
0x56: {  	_ =	shalt  }
0x57: {  	_ =	shalt  }
0x58: {  	_ =	shalt  }
0x59: {  	_ =	shalt  }
0x5a: {  	_ =	shalt  }
0x5b: {  	_ =	shalt  }
0x5c: {  	_ =	shalt  }
0x5d: {  	_ =	shalt  }
0x5e: {  	_ =	shalt  }
0x5f: {  	_ =	shalt  }
0x60: {  	_ =	shalt  }
0x61: {  	_ =	shalt  }
0x62: {  	_ =	shalt  }
0x63: {  	_ =	shalt  }
0x64: {  	_ =	shalt  }
0x65: {  	_ =	shalt  }
0x66: {  	_ =	shalt  }
0x67: {  	_ =	shalt  }
0x68: {  	_ =	shalt  }
0x69: {  	_ =	shalt  }
0x6a: {  	_ =	shalt  }
0x6b: {  	_ =	shalt  }
0x6c: {  	_ =	shalt  }
0x6d: {  	_ =	shalt  }
0x6e: {  	_ =	shalt  }
0x6f: {  	_ =	shalt  }
0x70: {  	_ =	shalt  }
0x71: {  	_ =	shalt  }
0x72: {  	_ =	shalt  }
0x73: {  	_ =	shalt  }
0x74: {  	_ =	shalt  }
0x75: {  	_ =	shalt  }
0x76: {  	_ =	shalt  }
0x77: {  	_ =	shalt  }
0x78: {  	_ =	shalt  }
0x79: {  	_ =	shalt  }
0x7a: {  	_ =	shalt  }
0x7b: {  	_ =	shalt  }
0x7c: {  	_ =	shalt  }
0x7d: {  	_ =	shalt  }
0x7e: {  	_ =	shalt  }
0x7f: {  	_ =	shalt  }
0x80: {  	_ =	shalt  }
0x81: {  	_ =	shalt  }
0x82: {  	_ =	shalt  }
0x83: {  	_ =	shalt  }
0x84: {  	_ =	shalt  }
0x85: {  	_ =	shalt  }
0x86: {  	_ =	shalt  }
0x87: {  	_ =	shalt  }
.Lfunc_end0:
.L_simem_size_0:
called_computation_lowered:
.L_overlay_start_0:
0x88: {  	s2 =	sld [smem:$0x3FD9]  }
0x89: {  	s3 =	sld [smem:$0x3FFE];
	_ =	sdelay $0x1  }
0x8a: {  	s1 =	srdreg.scid  }
0x8b: {  	s0 =	sand.u32 $0x1, s1  }
0x8c: {  	s14 =	sshll.u32 s0, $0xA;
	s2 =	sadd.s32 s3, s2  }
0x8d: {  	s2 =	sadd.s32 s2, s14  }
0x8e: {  	[smem:$0x3FBE] =	sst s2  }
0x8f: {  	_ = 	snop  }
0x90: {  	s2 =	sld [smem:$0x3FD0];
	_ =	sdelay $0x2  }
0x91: {  	s15 =	simm.s32 $0xA;
	s4 =	simm.s32 $0x10  }
0x92: {  	[smem:s4], [sflag:s15] =	dma.local [hbm:s2], $0x1  }
0x93: {  	_ =	swait.eq [sflag:s15], $0x1  }
0x94: {  	[sflag:s15] =	ssyncset.done $0x0  }
0x95: {  	[sflag:s15] =	ssyncadd.s32 $0xFFFFFFFF  }
0x96: {  	s16 =	sld [smem:$0x10];
	(tm) =	ssettm $0x1  }
0x97: {  	s17 =	sld [smem:$0x3FFB];
	_ =	sdelay $0x3  }
0x98: {  	_ =	strace s17  }
0x99: {  	s3 =	sld [smem:$0x3FFC];
	_ =	sdelay $0x3  }
0x9a: {  	_ =	strace s3  }
0x9b: {  	s3 =	sld [smem:$0x3FFD];
	_ =	sdelay $0x3  }
0x9c: {  	_ =	strace s3  }
0x9d: {  	_ =	strace $0x8FFFFFFF  }
0x9e: {  	s18 =	sld [smem:$0x3FDB];
	_ =	sdelay $0x1  }
0x9f: {  	s19 =	simm.s32 $_scs_section_size  }
0xa0: {  	s5 =	simm.s32 $_size__tile_overlayer_lowered;
	s6 =	simm.s32 $_tile_overlayer_lowered  }
0xa1: {  	s22 =	simm.s32 $0x1BFF;
	s21 =	sshll.u32 s6, $0x1;
	s3 =	sadd.s32 s19, s18  }
0xa2: {  	s7 =	simm.s32 $0x0;
	s20 =	sshll.u32 s5, $0x1;
	s5 =	sadd.s32 s21, s3  }
0xa3: {  	[timem:s7], [sflag:s22] =	dma.local [hbm:s5], s20  }
0xa4: {  	_ =	swait.ge [sflag:s22], s20  }
0xa5: {  	s4 =	ssub.s32 $0x0, s20;
	[sflag:s22] =	ssyncset.done $0x0  }
0xa6: {  	[sflag:s22] =	ssyncadd.s32 s4;
	_ =	sdelay $0x1  }
0xa7: {  	s23 =	simm.s32 $0x1B8B  }
0xa8: {  	_ =	swait.ge [sflag:s23], $0x1  }
0xa9: {  	[sflag:s23] =	ssyncset.done $0x0  }
0xaa: {  	s25 =	simm.s32 $0x1B8E;
	s24 =	sld [smem:$0x3FFE];
	[sflag:s23] =	ssyncadd.s32 $0xFFFFFFFF  }
0xab: {  	s26 =	simm.s32 $execute0_lowered;
	[smem:$0x3FD2] =	sst s25  }
0xac: {  	s5 =	sshll.u32 s26, $0x1;
	_ =	strace $0x80000046;
	[dreg:$0x1] =	wrdreg $0xFFFFFFFF  }
0xad: {  	s28 =	simm.s32 $_size_execute0_lowered;
	s3 =	sadd.s32 s3, s5;
	[dreg:$0x0] =	wrdreg $0x0  }
0xae: {  	s5 =	sshll.u32 s28, $0x1;
	[dreg:$0x2] =	wrdreg s3  }
0xaf: {  	[dreg:$0x3] =	wrdreg s5  }
0xb0: {  	[dreg:$0x4] =	wrdreg $0xC0  }
0xb1: {  	_ =	task [dreg:s7], $0x5FFFF  }
0xb2: {  	[dreg:$0x1] =	wrdreg $0xFFFFFFFF  }
0xb3: {  	[dreg:$0x0] =	wrdreg $0x60  }
0xb4: {  	[dreg:$0x2] =	wrdreg s16  }
0xb5: {  	[dreg:$0x3] =	wrdreg s24  }
0xb6: {  	[dreg:$0x4] =	wrdreg $0x9  }
0xb7: {  	_ =	task.clear_ibuf [dreg:s7], $0x5FFFF;
	_ =	strace $0x90000046  }
0xb8: {  	s29 =	simm.s32 $0x9;
	_ =	strace $0x80000048  }
0xb9: {  	_ =	swait.ge [sflag:s29], $0x1  }
0xba: {  	[sflag:s29] =	ssyncadd.s32 $0xFFFFFFFF  }
0xbb: {  	_ =	strace $0x90000048  }
0xbc: {  	_ =	sfence  }
0xbd: {  	s30 =	sld [smem:$0x0];
	_ =	sdelay $0x2  }
0xbe: {  	s31 =	sshll.u32 s1, $0xD;
	s1 =	sshrl.u32 s1, $0x2  }
0xbf: {  	s3 =	sand.u32 $0x4000, s31;
	s1 =	sadd.s32 s1, s30  }
0xc0: {  	s0 =	sor.u32 s3, s0;
	s1 =	sshll.u32 s1, $0x11  }
0xc1: {  	s0 =	sor.u32 s1, s0  }
0xc2: {  	s0 =	sadd.s32 $0x8F2B, s0  }
0xc3: {  	[sflag:s0] =	ssyncadd.remote.s32 $0x1  }
0xc4: {  	_ =	sfence.sel $0xFFFF  }
0xc5: {  	[dreg:$0x0] =	wrdreg $0xFFFFFFFF;
	(pc) =	sbr.abs _section_cstart, $3  }
0xc6: {  	[dreg:$0x1] =	wrdreg $0xFFFFFFFF  }
0xc7: {  	_ =	task.clear_ibuf [dreg:s7], $0x2FFFF;
	_ =	strace $0x9FFFFFFF  }
0xc8: {  	(tm) =	ssettm $0x7FFFFFFF  }
0xc9: {  	_ =	shalt  }
tec
execute0_lowered:
.L_overlay_start_1:
0x0: {  	(tag) =	ssettag $0x1  }
0x1: {  	s1 =	srdreg.scid  }
0x2: {  	s0 =	stileid.u32;
	s4 =	rddreg [dreg:$0x0]  }
0x3: {  	s6 =	rddreg [dreg:$0x1];
	s2 =	simm.s32 $0x0;
	s10 =	simm.s32 $0x2  }
0x4: {  	s11 =	simm.s32 $0x1;
	s3 =	sand.u32 $0x1, s1;
	s28 =	sshll.u32 s0, $0x1  }
0x5: {  	s12 =	simm.s32 $0x4E20;
	s13 =	simm.s32 $0x3;
	s5 =	sor.u32 s3, s28  }
0x6: {  	s14 =	simm.s32 $0x0;
	s1 =	rddreg [dreg:$0x2];
	s7 =	smul.u32 $0x4F0, s5  }
0x7: {  	[smem:$0x7FF] =	sst s2;
	s9 =	ssub.s32 $0x2, s3;
	s8 =	smul.u32 $0x4E20, s5  }
0x8: {  	_ =	strace $0x80000047;
	s5 =	smul.u32 $0x2710, s5;
	s30 =	sshrl.u32 s9, $0x1  }
0x9: {  	s31 =	ssub.s32 s9, s30;
	s9 =	simm.s32 $0x2710;
	s8 =	sshrl.u32 s8, $0x3  }
0xa: {  	s7 =	sadd.s32 s7, s6;
	s29 =	sshrl.u32 s5, $0x3;
	s6 =	sadd.s32 s8, s6  }
0xb: {  	s3 =	sadd.s32 s4, s29;
	s7 =	sadd.s32 $0x4400, s7;
	s8 =	smax.u32 s31, $0x1  }
0xc: {  	v0 =	vimm.f32 $0.0e+00;
	v1 =	vimm.f32 $1.000000000e+00;
	s4 =	sadd.s32 $0x9C40, s3;
	s5 =	sadd.s32 $0xE200, s6;
	s6 =	sadd.s32 $0xE6E2, s6  }
.LBB2_1:
0xd: {  	[tilespmem:s9], [sflag:$0x2] =	stream.linear.gather [hbm4b:s4+s2], $0x2710, $0x38;
	[tilespmem:$0x7530] =	vst v63  }
0xe: {  	s16 =	simm.s32 $0x140;
	s15 =	simm.s32 $0x0  }
0xf: {  	[tilespmem:s2], [sflag:$0x1] =	stream.linear.gather [hbm4b:s3+s2], $0x2710, $0x38;
	[tilespmem:$0x7530] =	vst v63  }
.LBB2_2:
0x10: {  	p0 =	sne.s32 s16, $0x9B00;
	[tilespmem:s15+$0x4E60] =	vst v0;
	s17 =	smov.u32 s16;
	s16 =	sadd.s32 $0x140, s16  }
.Ltmp0:
0x11: {  	[tilespmem:s15+$0x4E50] =	vst v0;
	(pc) =	sbr.rel @p0 .LBB2_2-.Ltmp0, $4  }
0x12: {  	[tilespmem:s15+$0x4E40] =	vst v0  }
0x13: {  	[tilespmem:s15+$0x4E20] =	vst v0  }
0x14: {  	[tilespmem:s15+$0x4E30] =	vst v0  }
0x15: {  	s15 =	sshra.s32 s17, $0x2  }
0x16: {  	[tilespmem:s15+$0x4E60] =	vst v0  }
0x17: {  	[tilespmem:s15+$0x4E50] =	vst v0  }
0x18: {  	[tilespmem:s15+$0x4E40] =	vst v0  }
0x19: {  	[tilespmem:s15+$0x4E20] =	vst v0  }
0x1a: {  	[tilespmem:s15+$0x4E30] =	vst v0  }
0x1b: {  	_ =	swait.ge [sflag:s10], $0x2710  }
0x1c: {  	[sflag:s10] =	ssyncset.done $0x0  }
0x1d: {  	[sflag:s10] =	ssyncadd.s32 $0xFFFFD8F0  }
0x1e: {  	_ =	swait.ge [sflag:s11], $0x2710  }
0x1f: {  	[sflag:s11] =	ssyncset.done $0x0  }
0x20: {  	s31 =	simm.s32 $0x0;
	s16 =	simm.s32 $0x0;
	[sflag:s11] =	ssyncadd.s32 $0xFFFFD8F0  }
0x21: {  	[hbm4b:s5+s31] =	stream.linear.scatter [tilespmem:s31], [sflag:$0x1], $0x2710, $0x38;
	[tilespmem:$0x7530] =	vst v63  }
0x22: {  	s15 =	simm.s32 $0x80;
	v2 =	vld [tilespmem:s16+$0x2710]  }
.LBB2_4:
0x23: {  	p0 =	sne.s32 s15, $0x9B80;
	v3 =	vld [tilespmem:s16+$0x2720];
	_ =	sdelay $0x4  }
.Ltmp1:
0x24: {  	(pc) =	sbr.rel @p0 .LBB2_4-.Ltmp1, $4  }
0x25: {  	_ = 	snop  }
0x26: {  	[tilespmem:v2+s12+$0x0] =	vst.idx.add.f32.msk $0xffff, v1  }
0x27: {  	s16 =	sshra.s32 s15, $0x2;
	[tilespmem:v3+s12+$0x0] =	vst.idx.add.f32.msk $0xffff, v1  }
0x28: {  	s15 =	sadd.s32 $0x80, s15;
	v2 =	vld [tilespmem:s16+$0x2710]  }
0x29: {  	_ = 	snop  }
0x2a: {  	v3 =	vld [tilespmem:s16+$0x2720];
	_ =	sdelay $0x6  }
0x2b: {  	[tilespmem:v2+s12+$0x0] =	vst.idx.add.f32.msk $0xffff, v1  }
0x2c: {  	[tilespmem:v3+s12+$0x0] =	vst.idx.add.f32.msk $0xffff, v1  }
0x2d: {  	v2 =	vld [tilespmem:$0x4E10];
	_ =	sdelay $0x7  }
0x2e: {  	[tilespmem:v2+s12+$0x0] =	vst.idx.add.f32.msk $0xffff, v1  }
0x2f: {  	_ =	swait.ge [sflag:s11], $0x2710  }
0x30: {  	[sflag:s11] =	ssyncset.done $0x0  }
0x31: {  	[sflag:s11] =	ssyncadd.s32 $0xFFFFD8F0  }
0x32: {  	[hbm4b:s6+s2] =	stream.linear.scatter [tilespmem:s9], [sflag:$0x3], $0x2710, $0x38;
	[tilespmem:$0x7530] =	vst v63  }
0x33: {  	s14 =	sadd.s32 $0x1, s14;
	_ =	swait.ge [sflag:s13], $0x2710  }
0x34: {  	p0 =	sne.s32 s14, s8;
	[sflag:s13] =	ssyncset.done $0x0  }
.Ltmp2:
0x35: {  	[sflag:s13] =	ssyncadd.s32 $0xFFFFD8F0;
	(pc) =	sbr.rel @p0 .LBB2_1-.Ltmp2, $4  }
0x36: {  	[hbm4b:s7+s2] =	stream.linear.scatter [tilespmem:s12], [sflag:$0x3], $0x2710, $0x38;
	[tilespmem:$0x7530] =	vst v63  }
0x37: {  	_ =	swait.ge [sflag:s13], $0x2710  }
0x38: {  	[sflag:s13] =	ssyncset.done $0x0  }
0x39: {  	[sflag:s13] =	ssyncadd.s32 $0xFFFFD8F0  }
0x3a: {  	_ =	sfence.sel $0x180000  }
0x3b: {  	[bflag:$0x0] =	sbarrier.arrive $0xFFFF  }
0x3c: {  	p0 =	sne.s32 s0, $0x0;
	_ =	strace $0x90000047  }
0x3d: {  	s0 =	sadd.s32 @!p0 $0x100000, s1;
	[bflag:$0x2] =	sbarrier.arrive $0xFFFF  }
0x3e: {  	[sflag:s0] =	ssyncadd.tile.s32 @!p0 $0x1;
	_ =	shalt  }
.Lfunc_end2:
_tile_overlayer_lowered:
.L_overlay_start_2:
0x3f: {  	(tag) =	ssettag $0x2  }
0x40: {  	s0 =	rddreg [dreg:$0x0];
	s2 =	stileid.u32  }
0x41: {  	s1 =	rddreg [dreg:$0x1];
	p0 =	sne.s32 s2, $0x0  }
0x42: {  	s3 =	rddreg [dreg:$0x2];
	[bflag:$0x3] =	sbarrier.arrive $0xFFFF;
	s2 =	simm.s32 @!p0 $0x1C03  }
0x43: {  	[timem:s3], [sflag:s2] =	dma.local @!p0 [hbm:s0], s1  }
0x44: {  	s0 =	simm.s32 @!p0 $0x3  }
0x45: {  	_ =	swait.ge @!p0 [sflag:s0], s1  }
0x46: {  	s1 =	ssub.s32 @!p0 $0x0, s1;
	[sflag:s0] =	ssyncset.done @!p0 $0x0  }
0x47: {  	[sflag:s0] =	ssyncadd.s32 @!p0 s1  }
0x48: {  	[bflag:$0x3] =	sbarrier.arrive $0xFFFF  }
0x49: {  	_ =	shalt  }

// kernel: kernel.14.cloned.1.call-start
scs
__scs_entry_jumppad:
0x0: {  	(pc) =	sbr.rel $0x88, $3  }
0x1: {  	(tag) =	ssettag $0x0;
	lr =	simm.s32 $0x1  }
0x2: {  	[smem:$0x3F97] =	sst lr;
	_ =	strace $0xD0000000  }
0x3: {  	_ = 	snop  }
0x4: {  	_ = 	snop  }
0x5: {  	_ = 	snop  }
0x6: {  	_ = 	snop  }
0x7: {  	_ = 	snop  }
__scs_overlays_trampoline_lowered:
0x8: {  	[smem:$0x3FA6] =	sst s0  }
0x9: {  	[smem:$0x3FA7] =	sst s1  }
0xa: {  	[smem:$0x3FA8] =	sst s2  }
0xb: {  	[smem:$0x3FA9] =	sst s3  }
0xc: {  	[smem:$0x3FAA] =	sst s4  }
0xd: {  	[smem:$0x3FAB] =	sst s5  }
0xe: {  	[smem:$0x3FAC] =	sst s6  }
0xf: {  	[smem:$0x3FAD] =	sst s7  }
0x10: {  	[smem:$0x3FAE] =	sst s8  }
0x11: {  	[smem:$0x3FAF] =	sst s9;
	s0 =	simm.s32 @!p0 $0x0  }
0x12: {  	s1 =	sld [smem:$0x3F95];
	s0 =	simm.s32 @p0 $0x1  }
0x13: {  	[smem:$0x3FB0] =	sst s0;
	s0 =	simm.s32 @!p1 $0x0  }
0x14: {  	s2 =	sld [smem:$0x3F94];
	s0 =	simm.s32 @p1 $0x1  }
0x15: {  	[smem:$0x3FB1] =	sst s0;
	s0 =	simm.s32 @!p2 $0x0  }
0x16: {  	s3 =	sld [smem:$0x3FDB];
	s0 =	simm.s32 @p2 $0x1  }
0x17: {  	s4 =	simm.s32 $0x1BF5;
	[smem:$0x3FB3] =	sst s0  }
0x18: {  	s0 =	sld [smem:$0x3F96];
	_ =	swait.ge [sflag:s4], $0x0  }
0x19: {  	s7 =	sld [smem:$0x3F97]  }
0x1a: {  	s8 =	sadd.s32 $0xFFFFE003, lr  }
0x1b: {  	s9 =	sadd.s32 $0xFFFFFEF7, lr;
	s5 =	simm.s32 $0xFFFFFFFF;
	p2 =	slt.u32 s8, $0xFFFFF086  }
0x1c: {  	p1 =	slt.u32 s9, $0xF7A;
	s5 =	simm.s32 @!p2 $0x0  }
0x1d: {  	s5 =	simm.s32 @p1 $0x1;
	p0 =	seq.s32 s7, s2  }
0x1e: {  	s7 =	smul.u32 @!p0 $0xF7A, s2;
	p2 =	seq.s32 @!p0 s5, $0x0  }
0x1f: {  	s9 =	smul.u32 $0xF7A, s1;
	s8 =	simm.s32 @!p0 $0x1BF5;
	p2 =	por !p2, p0  }
0x20: {  	[sflag:s8] =	ssyncset.s32 @!p0 $0xFFFFF086;
	s6 =	sadd.s32 @!p0 s3, s7;
	s7 =	simm.s32 @!p0 $0x108  }
0x21: {  	s3 =	sadd.s32 s3, s9;
	s6 =	sadd.s32 @!p0 $0x88, s6;
	s7 =	simm.s32 @p2 $0x1082  }
0x22: {  	[simem:s7], [sflag:s8] =	dma.local @!p0 [hbm:s6], $0xF7A  }
0x23: {  	s9 =	sor.u32 $0xD0000000, s2;
	s6 =	simm.s32 $0x108;
	_ =	swait.ge @!p0 [sflag:s8], $0x0  }
0x24: {  	s3 =	sadd.s32 $0x88, s3;
	s6 =	simm.s32 @!p1 $0x1082;
	[sflag:s4] =	ssyncset.s32 $0xFFFFF086  }
0x25: {  	[simem:s6], [sflag:s4] =	dma.local [hbm:s3], $0xF7A  }
0x26: {  	[smem:$0x3F97] =	sst s1;
	(tag) =	ssettag s2;
	_ =	strace s9  }
0x27: {  	s1 =	sld [smem:$0x3FA7]  }
0x28: {  	s2 =	sld [smem:$0x3FA8]  }
0x29: {  	s4 =	sld [smem:$0x3FAA]  }
0x2a: {  	p0 =	seq.s32 s5, $0x0;
	s5 =	sld [smem:$0x3FAB]  }
0x2b: {  	s6 =	sld [smem:$0x3FAC]  }
0x2c: {  	s7 =	sld [smem:$0x3FAD]  }
0x2d: {  	s3 =	simm.s32 $0x108;
	s8 =	sld [smem:$0x3FAE]  }
0x2e: {  	s3 =	simm.s32 @!p0 $0x1082;
	s9 =	sld [smem:$0x3FAF]  }
0x2f: {  	lr =	sadd.s32 s0, s3;
	s0 =	sld [smem:$0x3FA6]  }
0x30: {  	s3 =	sld [smem:$0x3FA9]  }
0x31: {  	[smem:$0x3FB2] =	sst s10  }
0x32: {  	s10 =	sld [smem:$0x3FB0];
	_ =	sdelay $0x3  }
0x33: {  	p0 =	seq.s32 s10, $0x1;
	s10 =	sld [smem:$0x3FB2];
	_ =	sdelay $0x3  }
0x34: {  	[smem:$0x3FB2] =	sst s10  }
0x35: {  	s10 =	sld [smem:$0x3FB1];
	_ =	sdelay $0x3  }
0x36: {  	p1 =	seq.s32 s10, $0x1;
	s10 =	sld [smem:$0x3FB2];
	_ =	sdelay $0x3  }
0x37: {  	[smem:$0x3FB2] =	sst s10  }
0x38: {  	s10 =	sld [smem:$0x3FB3]  }
0x39: {  	_ = 	snop;
	(pc) =	sbr.ind lr, $3  }
0x3a: {  	_ = 	snop  }
0x3b: {  	_ = 	snop  }
0x3c: {  	p2 =	seq.s32 s10, $0x1;
	s10 =	sld [smem:$0x3FB2]  }
0x3d: {  	_ =	shalt  }
0x3e: {  	_ =	shalt  }
0x3f: {  	_ =	shalt  }
0x40: {  	_ =	shalt  }
0x41: {  	_ =	shalt  }
0x42: {  	_ =	shalt  }
0x43: {  	_ =	shalt  }
0x44: {  	_ =	shalt  }
0x45: {  	_ =	shalt  }
0x46: {  	_ =	shalt  }
0x47: {  	_ =	shalt  }
0x48: {  	_ =	shalt  }
0x49: {  	_ =	shalt  }
0x4a: {  	_ =	shalt  }
0x4b: {  	_ =	shalt  }
0x4c: {  	_ =	shalt  }
0x4d: {  	_ =	shalt  }
0x4e: {  	_ =	shalt  }
0x4f: {  	_ =	shalt  }
0x50: {  	_ =	shalt  }
0x51: {  	_ =	shalt  }
0x52: {  	_ =	shalt  }
0x53: {  	_ =	shalt  }
0x54: {  	_ =	shalt  }
0x55: {  	_ =	shalt  }
0x56: {  	_ =	shalt  }
0x57: {  	_ =	shalt  }
0x58: {  	_ =	shalt  }
0x59: {  	_ =	shalt  }
0x5a: {  	_ =	shalt  }
0x5b: {  	_ =	shalt  }
0x5c: {  	_ =	shalt  }
0x5d: {  	_ =	shalt  }
0x5e: {  	_ =	shalt  }
0x5f: {  	_ =	shalt  }
0x60: {  	_ =	shalt  }
0x61: {  	_ =	shalt  }
0x62: {  	_ =	shalt  }
0x63: {  	_ =	shalt  }
0x64: {  	_ =	shalt  }
0x65: {  	_ =	shalt  }
0x66: {  	_ =	shalt  }
0x67: {  	_ =	shalt  }
0x68: {  	_ =	shalt  }
0x69: {  	_ =	shalt  }
0x6a: {  	_ =	shalt  }
0x6b: {  	_ =	shalt  }
0x6c: {  	_ =	shalt  }
0x6d: {  	_ =	shalt  }
0x6e: {  	_ =	shalt  }
0x6f: {  	_ =	shalt  }
0x70: {  	_ =	shalt  }
0x71: {  	_ =	shalt  }
0x72: {  	_ =	shalt  }
0x73: {  	_ =	shalt  }
0x74: {  	_ =	shalt  }
0x75: {  	_ =	shalt  }
0x76: {  	_ =	shalt  }
0x77: {  	_ =	shalt  }
0x78: {  	_ =	shalt  }
0x79: {  	_ =	shalt  }
0x7a: {  	_ =	shalt  }
0x7b: {  	_ =	shalt  }
0x7c: {  	_ =	shalt  }
0x7d: {  	_ =	shalt  }
0x7e: {  	_ =	shalt  }
0x7f: {  	_ =	shalt  }
0x80: {  	_ =	shalt  }
0x81: {  	_ =	shalt  }
0x82: {  	_ =	shalt  }
0x83: {  	_ =	shalt  }
0x84: {  	_ =	shalt  }
0x85: {  	_ =	shalt  }
0x86: {  	_ =	shalt  }
0x87: {  	_ =	shalt  }
.Lfunc_end0:
.L_simem_size_0:
called_computation.1_lowered:
.L_overlay_start_0:
0x88: {  	s2 =	sld [smem:$0x3FD9]  }
0x89: {  	s3 =	sld [smem:$0x3FFE];
	_ =	sdelay $0x1  }
0x8a: {  	s1 =	srdreg.scid  }
0x8b: {  	s0 =	sand.u32 $0x1, s1  }
0x8c: {  	s14 =	sshll.u32 s0, $0xA;
	s2 =	sadd.s32 s3, s2  }
0x8d: {  	s2 =	sadd.s32 s2, s14  }
0x8e: {  	[smem:$0x3FBE] =	sst s2  }
0x8f: {  	_ = 	snop  }
0x90: {  	s2 =	sld [smem:$0x3FD0];
	_ =	sdelay $0x2  }
0x91: {  	s15 =	simm.s32 $0xA;
	s4 =	simm.s32 $0x10  }
0x92: {  	[smem:s4], [sflag:s15] =	dma.local [hbm:s2], $0x1  }
0x93: {  	_ =	swait.eq [sflag:s15], $0x1  }
0x94: {  	[sflag:s15] =	ssyncset.done $0x0  }
0x95: {  	[sflag:s15] =	ssyncadd.s32 $0xFFFFFFFF  }
0x96: {  	s16 =	sld [smem:$0x10];
	(tm) =	ssettm $0x1  }
0x97: {  	s17 =	sld [smem:$0x3FFB];
	_ =	sdelay $0x3  }
0x98: {  	_ =	strace s17  }
0x99: {  	s3 =	sld [smem:$0x3FFC];
	_ =	sdelay $0x3  }
0x9a: {  	_ =	strace s3  }
0x9b: {  	s3 =	sld [smem:$0x3FFD];
	_ =	sdelay $0x3  }
0x9c: {  	_ =	strace s3  }
0x9d: {  	_ =	strace $0x8FFFFFFF  }
0x9e: {  	s18 =	sld [smem:$0x3FDB];
	_ =	sdelay $0x1  }
0x9f: {  	s19 =	simm.s32 $_scs_section_size  }
0xa0: {  	s5 =	simm.s32 $_size__tile_overlayer_lowered;
	s6 =	simm.s32 $_tile_overlayer_lowered  }
0xa1: {  	s22 =	simm.s32 $0x1BFF;
	s21 =	sshll.u32 s6, $0x1;
	s3 =	sadd.s32 s19, s18  }
0xa2: {  	s7 =	simm.s32 $0x0;
	s20 =	sshll.u32 s5, $0x1;
	s5 =	sadd.s32 s21, s3  }
0xa3: {  	[timem:s7], [sflag:s22] =	dma.local [hbm:s5], s20  }
0xa4: {  	_ =	swait.ge [sflag:s22], s20  }
0xa5: {  	s4 =	ssub.s32 $0x0, s20;
	[sflag:s22] =	ssyncset.done $0x0  }
0xa6: {  	[sflag:s22] =	ssyncadd.s32 s4;
	_ =	sdelay $0x1  }
0xa7: {  	s23 =	simm.s32 $0x1B8B  }
0xa8: {  	_ =	swait.ge [sflag:s23], $0x1  }
0xa9: {  	[sflag:s23] =	ssyncset.done $0x0  }
0xaa: {  	s25 =	simm.s32 $0x1B8E;
	s24 =	sld [smem:$0x3FFE];
	[sflag:s23] =	ssyncadd.s32 $0xFFFFFFFF  }
0xab: {  	s26 =	simm.s32 $execute0_lowered;
	[smem:$0x3FD2] =	sst s25  }
0xac: {  	s5 =	sshll.u32 s26, $0x1;
	_ =	strace $0x80000049;
	[dreg:$0x1] =	wrdreg $0xFFFFFFFF  }
0xad: {  	s28 =	simm.s32 $_size_execute0_lowered;
	s3 =	sadd.s32 s3, s5;
	[dreg:$0x0] =	wrdreg $0x0  }
0xae: {  	s5 =	sshll.u32 s28, $0x1;
	[dreg:$0x2] =	wrdreg s3  }
0xaf: {  	[dreg:$0x3] =	wrdreg s5  }
0xb0: {  	[dreg:$0x4] =	wrdreg $0xC0  }
0xb1: {  	_ =	task [dreg:s7], $0x5FFFF  }
0xb2: {  	[dreg:$0x1] =	wrdreg $0xFFFFFFFF  }
0xb3: {  	[dreg:$0x0] =	wrdreg $0x60  }
0xb4: {  	[dreg:$0x2] =	wrdreg s16  }
0xb5: {  	[dreg:$0x3] =	wrdreg s24  }
0xb6: {  	[dreg:$0x4] =	wrdreg $0x9  }
0xb7: {  	_ =	task.clear_ibuf [dreg:s7], $0x5FFFF;
	_ =	strace $0x90000049  }
0xb8: {  	s29 =	simm.s32 $0x9;
	_ =	strace $0x8000004B  }
0xb9: {  	_ =	swait.ge [sflag:s29], $0x1  }
0xba: {  	[sflag:s29] =	ssyncadd.s32 $0xFFFFFFFF  }
0xbb: {  	_ =	strace $0x9000004B  }
0xbc: {  	_ =	sfence  }
0xbd: {  	s30 =	sld [smem:$0x0];
	_ =	sdelay $0x2  }
0xbe: {  	s31 =	sshll.u32 s1, $0xD;
	s1 =	sshrl.u32 s1, $0x2  }
0xbf: {  	s3 =	sand.u32 $0x4000, s31;
	s1 =	sadd.s32 s1, s30  }
0xc0: {  	s0 =	sor.u32 s3, s0;
	s1 =	sshll.u32 s1, $0x11  }
0xc1: {  	s0 =	sor.u32 s1, s0  }
0xc2: {  	s0 =	sadd.s32 $0x8F2B, s0  }
0xc3: {  	[sflag:s0] =	ssyncadd.remote.s32 $0x1  }
0xc4: {  	_ =	sfence.sel $0xFFFF  }
0xc5: {  	[dreg:$0x0] =	wrdreg $0xFFFFFFFF;
	(pc) =	sbr.abs _section_cstart, $3  }
0xc6: {  	[dreg:$0x1] =	wrdreg $0xFFFFFFFF  }
0xc7: {  	_ =	task.clear_ibuf [dreg:s7], $0x2FFFF;
	_ =	strace $0x9FFFFFFF  }
0xc8: {  	(tm) =	ssettm $0x7FFFFFFF  }
0xc9: {  	_ =	shalt  }
tec
execute0_lowered:
.L_overlay_start_1:
0x0: {  	(tag) =	ssettag $0x1  }
0x1: {  	s1 =	srdreg.scid;
	s2 =	rddreg [dreg:$0x0]  }
0x2: {  	s0 =	stileid.u32;
	s5 =	rddreg [dreg:$0x1]  }
0x3: {  	s3 =	simm.s32 $0x0;
	s9 =	simm.s32 $0x4E20;
	s10 =	simm.s32 $0x1  }
0x4: {  	s11 =	simm.s32 $0x2;
	s4 =	sand.u32 $0x1, s1;
	s31 =	sshll.u32 s0, $0x1  }
0x5: {  	s12 =	simm.s32 $0x3;
	s13 =	simm.s32 $0xEA60;
	s6 =	sor.u32 s4, s31  }
0x6: {  	s14 =	simm.s32 $0x4;
	s1 =	rddreg [dreg:$0x2];
	s7 =	smul.u32 $0x4E20, s6  }
0x7: {  	s15 =	simm.s32 $0x0;
	[smem:$0x7FF] =	sst s3;
	s6 =	smul.u32 $0x1390, s6  }
0x8: {  	s4 =	ssub.s32 $0x2, s4;
	_ =	strace $0x8000004A;
	s7 =	sshrl.u32 s7, $0x3  }
0x9: {  	s8 =	sshrl.u32 s4, $0x1;
	s6 =	sadd.s32 s6, s5;
	s7 =	sadd.s32 s7, s5  }
0xa: {  	s8 =	ssub.s32 s4, s8;
	s6 =	sadd.s32 $0x21C00, s6;
	s4 =	sadd.s32 $0xE200, s7  }
0xb: {  	v0 =	vimm.f32 $0.0e+00;
	s5 =	sadd.s32 $0xE6E2, s7;
	s7 =	smax.u32 s8, $0x1;
	s8 =	simm.s32 $0x2710  }
.LBB2_1:
0xc: {  	[tilespmem:s3], [sflag:$0x1] =	stream.linear.gather [hbm4b:s4+s3], $0x2710, $0x38;
	[tilespmem:$0x186A0] =	vst v63  }
0xd: {  	_ = 	snop  }
0xe: {  	[tilespmem:s8], [sflag:$0x2] =	stream.linear.gather [hbm4b:s5+s3], $0x2710, $0x38;
	[tilespmem:$0x186A0] =	vst v63  }
0xf: {  	s16 =	simm.s32 $0x0;
	s17 =	simm.s32 $0x280  }
0x10: {  	[tilespmem:s9], [sflag:$0x3] =	stream.linear.gather [hbm4b:s2+s3], $0x9C40, $0x38;
	[tilespmem:$0x186A0] =	vst v63  }
.LBB2_2:
0x11: {  	p0 =	sne.s32 s17, $0x26E80;
	[tilespmem:s16+$0xEAF0] =	vst v0  }
0x12: {  	[tilespmem:s16+$0xEA60] =	vst v0  }
0x13: {  	[tilespmem:s16+$0xEA70] =	vst v0  }
0x14: {  	[tilespmem:s16+$0xEA80] =	vst v0  }
0x15: {  	[tilespmem:s16+$0xEA90] =	vst v0  }
.Ltmp0:
0x16: {  	[tilespmem:s16+$0xEAA0] =	vst v0;
	(pc) =	sbr.rel @p0 .LBB2_2-.Ltmp0, $4  }
0x17: {  	[tilespmem:s16+$0xEAB0] =	vst v0  }
0x18: {  	[tilespmem:s16+$0xEAC0] =	vst v0  }
0x19: {  	[tilespmem:s16+$0xEAD0] =	vst v0  }
0x1a: {  	[tilespmem:s16+$0xEAE0] =	vst v0;
	s16 =	sshra.s32 s17, $0x2;
	s17 =	sadd.s32 $0x280, s17  }
0x1b: {  	[tilespmem:s16+$0xEAF0] =	vst v0  }
0x1c: {  	[tilespmem:s16+$0xEA60] =	vst v0  }
0x1d: {  	[tilespmem:s16+$0xEA70] =	vst v0  }
0x1e: {  	[tilespmem:s16+$0xEA80] =	vst v0  }
0x1f: {  	[tilespmem:s16+$0xEA90] =	vst v0  }
0x20: {  	[tilespmem:s16+$0xEAA0] =	vst v0  }
0x21: {  	[tilespmem:s16+$0xEAB0] =	vst v0  }
0x22: {  	[tilespmem:s16+$0xEAC0] =	vst v0  }
0x23: {  	[tilespmem:s16+$0xEAD0] =	vst v0  }
0x24: {  	[tilespmem:s16+$0xEAE0] =	vst v0  }
0x25: {  	_ =	swait.ge [sflag:s10], $0x2710  }
0x26: {  	[sflag:s10] =	ssyncset.done $0x0  }
0x27: {  	[sflag:s10] =	ssyncadd.s32 $0xFFFFD8F0  }
0x28: {  	_ =	swait.ge [sflag:s11], $0x2710  }
0x29: {  	[sflag:s11] =	ssyncset.done $0x0  }
0x2a: {  	[sflag:s11] =	ssyncadd.s32 $0xFFFFD8F0  }
0x2b: {  	_ =	swait.ge [sflag:s12], $0x9C40  }
0x2c: {  	[sflag:s12] =	ssyncset.done $0x0  }
0x2d: {  	s31 =	simm.s32 $0x0;
	[sflag:s12] =	ssyncadd.s32 $0xFFFF63C0  }
0x2e: {  	v1 =	vld [tilespmem:s31+$0x0];
	_ =	sdelay $0x4  }
0x2f: {  	v3 =	vld [tilespmem:s31+$0x2710];
	v2 =	vadd.s32 $0x2710, v1  }
0x30: {  	v4 =	vadd.s32 $0x4E20, v1  }
0x31: {  	v5 =	vadd.s32 $0x7530, v1  }
0x32: {  	v6 =	vld [tilespmem:s31+$0x10]  }
0x33: {  	v1 =	vld.idx.msk [tilespmem:v1+s9+$0x0], $0xffff  }
0x34: {  	v7 =	vadd.s32 $0x2710, v3;
	v2 =	vld.idx.msk [tilespmem:v2+s9+$0x0], $0xffff  }
0x35: {  	v8 =	vadd.s32 $0x4E20, v3;
	v4 =	vld.idx.msk [tilespmem:v4+s9+$0x0], $0xffff  }
0x36: {  	v9 =	vadd.s32 $0x7530, v3;
	v5 =	vld.idx.msk [tilespmem:v5+s9+$0x0], $0xffff  }
0x37: {  	v10 =	vld [tilespmem:s31+$0x2720]  }
0x38: {  	[tilespmem:v3+s13+$0x0] =	vst.idx.add.f32.msk $0xffff, v1;
	v1 =	vadd.s32 $0x2710, v6  }
0x39: {  	[tilespmem:v7+s13+$0x0] =	vst.idx.add.f32.msk $0xffff, v2;
	v2 =	vadd.s32 $0x4E20, v6  }
0x3a: {  	[tilespmem:v8+s13+$0x0] =	vst.idx.add.f32.msk $0xffff, v4  }
0x3b: {  	v3 =	vadd.s32 $0x7530, v6;
	[tilespmem:v9+s13+$0x0] =	vst.idx.add.f32.msk $0xffff, v5  }
0x3c: {  	v4 =	vld.idx.msk [tilespmem:v6+s9+$0x0], $0xffff  }
0x3d: {  	v62 =	vadd.s32 $0x2710, v10;
	v5 =	vld.idx.msk [tilespmem:v1+s9+$0x0], $0xffff  }
0x3e: {  	v63 =	vadd.s32 $0x4E20, v10;
	v7 =	vld.idx.msk [tilespmem:v2+s9+$0x0], $0xffff;
	_ =	sdelay $0x1  }
0x3f: {  	v1 =	vld.idx.msk [tilespmem:v3+s9+$0x0], $0xffff;
	v2 =	vadd.s32 $0x7530, v10  }
0x40: {  	[tilespmem:v10+s13+$0x0] =	vst.idx.add.f32.msk $0xffff, v4  }
0x41: {  	[tilespmem:v62+s13+$0x0] =	vst.idx.add.f32.msk $0xffff, v5  }
0x42: {  	s16 =	simm.s32 $0x80;
	s17 =	simm.s32 $0x100;
	[tilespmem:v63+s13+$0x0] =	vst.idx.add.f32.msk $0xffff, v7  }
.LBB2_4:
0x43: {  	p0 =	sne.s32 s17, $0x9B80  }
0x44: {  	s18 =	sshra.s32 s16, $0x2;
	[tilespmem:v2+s13+$0x0] =	vst.idx.add.f32.msk $0xffff, v1;
	s16 =	smov.u32 s17;
	s17 =	sadd.s32 $0x80, s17  }
0x45: {  	v1 =	vld [tilespmem:s18+$0x0];
	_ =	sdelay $0x4  }
0x46: {  	v2 =	vadd.s32 $0x2710, v1;
	v3 =	vadd.s32 $0x4E20, v1;
	v4 =	vadd.s32 $0x7530, v1  }
0x47: {  	v5 =	vld [tilespmem:s18+$0x2710];
	_ =	sdelay $0x1  }
0x48: {  	v6 =	vld [tilespmem:s18+$0x10]  }
0x49: {  	v1 =	vld.idx.msk [tilespmem:v1+s9+$0x0], $0xffff  }
0x4a: {  	v2 =	vld.idx.msk [tilespmem:v2+s9+$0x0], $0xffff  }
0x4b: {  	v3 =	vld.idx.msk [tilespmem:v3+s9+$0x0], $0xffff;
	v7 =	vadd.s32 $0x2710, v5  }
0x4c: {  	v8 =	vadd.s32 $0x4E20, v5;
	v4 =	vld.idx.msk [tilespmem:v4+s9+$0x0], $0xffff  }
0x4d: {  	v9 =	vadd.s32 $0x7530, v5  }
0x4e: {  	v10 =	vld [tilespmem:s18+$0x2720]  }
0x4f: {  	[tilespmem:v5+s13+$0x0] =	vst.idx.add.f32.msk $0xffff, v1;
	v1 =	vadd.s32 $0x2710, v6  }
0x50: {  	[tilespmem:v7+s13+$0x0] =	vst.idx.add.f32.msk $0xffff, v2;
	v2 =	vadd.s32 $0x4E20, v6  }
0x51: {  	[tilespmem:v8+s13+$0x0] =	vst.idx.add.f32.msk $0xffff, v3;
	v3 =	vadd.s32 $0x7530, v6  }
0x52: {  	[tilespmem:v9+s13+$0x0] =	vst.idx.add.f32.msk $0xffff, v4  }
0x53: {  	v4 =	vld.idx.msk [tilespmem:v6+s9+$0x0], $0xffff  }
0x54: {  	v5 =	vld.idx.msk [tilespmem:v1+s9+$0x0], $0xffff  }
0x55: {  	v7 =	vadd.s32 $0x2710, v10;
	v6 =	vld.idx.msk [tilespmem:v2+s9+$0x0], $0xffff  }
0x56: {  	v1 =	vld.idx.msk [tilespmem:v3+s9+$0x0], $0xffff;
	v3 =	vadd.s32 $0x4E20, v10  }
.Ltmp1:
0x57: {  	v2 =	vadd.s32 $0x7530, v10;
	(pc) =	sbr.rel @p0 .LBB2_4-.Ltmp1, $4  }
0x58: {  	_ = 	snop  }
0x59: {  	[tilespmem:v10+s13+$0x0] =	vst.idx.add.f32.msk $0xffff, v4  }
0x5a: {  	[tilespmem:v7+s13+$0x0] =	vst.idx.add.f32.msk $0xffff, v5  }
0x5b: {  	[tilespmem:v3+s13+$0x0] =	vst.idx.add.f32.msk $0xffff, v6  }
0x5c: {  	_ =	sdelay $0x3  }
0x5d: {  	s16 =	sshra.s32 s16, $0x2;
	[tilespmem:v2+s13+$0x0] =	vst.idx.add.f32.msk $0xffff, v1  }
0x5e: {  	v1 =	vld [tilespmem:s16+$0x0];
	_ =	sdelay $0x4  }
0x5f: {  	v3 =	vld [tilespmem:s16+$0x2710];
	v2 =	vadd.s32 $0x2710, v1  }
0x60: {  	v4 =	vadd.s32 $0x4E20, v1  }
0x61: {  	v5 =	vadd.s32 $0x7530, v1  }
0x62: {  	v6 =	vld [tilespmem:s16+$0x10]  }
0x63: {  	v1 =	vld.idx.msk [tilespmem:v1+s9+$0x0], $0xffff  }
0x64: {  	v7 =	vadd.s32 $0x2710, v3;
	v2 =	vld.idx.msk [tilespmem:v2+s9+$0x0], $0xffff  }
0x65: {  	v8 =	vadd.s32 $0x4E20, v3;
	v4 =	vld.idx.msk [tilespmem:v4+s9+$0x0], $0xffff  }
0x66: {  	v9 =	vadd.s32 $0x7530, v3;
	v5 =	vld.idx.msk [tilespmem:v5+s9+$0x0], $0xffff  }
0x67: {  	v10 =	vld [tilespmem:s16+$0x2720]  }
0x68: {  	[tilespmem:v3+s13+$0x0] =	vst.idx.add.f32.msk $0xffff, v1;
	v1 =	vadd.s32 $0x2710, v6  }
0x69: {  	[tilespmem:v7+s13+$0x0] =	vst.idx.add.f32.msk $0xffff, v2;
	v2 =	vadd.s32 $0x4E20, v6  }
0x6a: {  	v3 =	vadd.s32 $0x7530, v6;
	[tilespmem:v8+s13+$0x0] =	vst.idx.add.f32.msk $0xffff, v4  }
0x6b: {  	[tilespmem:v9+s13+$0x0] =	vst.idx.add.f32.msk $0xffff, v5  }
0x6c: {  	v4 =	vld.idx.msk [tilespmem:v6+s9+$0x0], $0xffff  }
0x6d: {  	v56 =	vadd.s32 $0x2710, v10;
	v1 =	vld.idx.msk [tilespmem:v1+s9+$0x0], $0xffff  }
0x6e: {  	v57 =	vadd.s32 $0x4E20, v10;
	v2 =	vld.idx.msk [tilespmem:v2+s9+$0x0], $0xffff  }
0x6f: {  	v58 =	vadd.s32 $0x7530, v10;
	v3 =	vld.idx.msk [tilespmem:v3+s9+$0x0], $0xffff;
	_ =	sdelay $0x1  }
0x70: {  	[tilespmem:v10+s13+$0x0] =	vst.idx.add.f32.msk $0xffff, v4  }
0x71: {  	[tilespmem:v56+s13+$0x0] =	vst.idx.add.f32.msk $0xffff, v1  }
0x72: {  	[tilespmem:v57+s13+$0x0] =	vst.idx.add.f32.msk $0xffff, v2  }
0x73: {  	[tilespmem:v58+s13+$0x0] =	vst.idx.add.f32.msk $0xffff, v3  }
0x74: {  	v1 =	vld [tilespmem:$0x2700];
	_ =	sdelay $0x4  }
0x75: {  	v2 =	vld [tilespmem:$0x4E10];
	v3 =	vadd.s32 $0x2710, v1  }
0x76: {  	v59 =	vadd.s32 $0x4E20, v1  }
0x77: {  	v60 =	vadd.s32 $0x7530, v1;
	_ =	sdelay $0x1  }
0x78: {  	v1 =	vld.idx.msk [tilespmem:v1+s9+$0x0], $0xffff  }
0x79: {  	v61 =	vadd.s32 $0x2710, v2;
	v3 =	vld.idx.msk [tilespmem:v3+s9+$0x0], $0xffff  }
0x7a: {  	v62 =	vadd.s32 $0x4E20, v2;
	v4 =	vld.idx.msk [tilespmem:v59+s9+$0x0], $0xffff  }
0x7b: {  	v63 =	vadd.s32 $0x7530, v2;
	v5 =	vld.idx.msk [tilespmem:v60+s9+$0x0], $0xffff;
	_ =	sdelay $0x1  }
0x7c: {  	[tilespmem:v2+s13+$0x0] =	vst.idx.add.f32.msk $0xffff, v1  }
0x7d: {  	s15 =	sadd.s32 $0x1, s15;
	[tilespmem:v61+s13+$0x0] =	vst.idx.add.f32.msk $0xffff, v3  }
0x7e: {  	p0 =	sne.s32 s15, s7;
	[tilespmem:v62+s13+$0x0] =	vst.idx.add.f32.msk $0xffff, v4  }
.Ltmp2:
0x7f: {  	[tilespmem:v63+s13+$0x0] =	vst.idx.add.f32.msk $0xffff, v5;
	(pc) =	sbr.rel @p0 .LBB2_1-.Ltmp2, $4  }
0x80: {  	[hbm4b:s6+s3] =	stream.linear.scatter [tilespmem:s13], [sflag:$0x4], $0x9C40, $0x38;
	[tilespmem:$0x186A0] =	vst v63  }
0x81: {  	_ =	swait.ge [sflag:s14], $0x9C40  }
0x82: {  	[sflag:s14] =	ssyncset.done $0x0  }
0x83: {  	[sflag:s14] =	ssyncadd.s32 $0xFFFF63C0  }
0x84: {  	_ =	sfence.sel $0x180000  }
0x85: {  	[bflag:$0x0] =	sbarrier.arrive $0xFFFF  }
0x86: {  	p0 =	sne.s32 s0, $0x0;
	_ =	strace $0x9000004A  }
0x87: {  	s0 =	sadd.s32 @!p0 $0x100000, s1;
	[bflag:$0x2] =	sbarrier.arrive $0xFFFF  }
0x88: {  	[sflag:s0] =	ssyncadd.tile.s32 @!p0 $0x1;
	_ =	shalt  }
.Lfunc_end2:
_tile_overlayer_lowered:
.L_overlay_start_2:
0x89: {  	(tag) =	ssettag $0x2  }
0x8a: {  	s0 =	rddreg [dreg:$0x0];
	s2 =	stileid.u32  }
0x8b: {  	s1 =	rddreg [dreg:$0x1];
	p0 =	sne.s32 s2, $0x0  }
0x8c: {  	s3 =	rddreg [dreg:$0x2];
	[bflag:$0x3] =	sbarrier.arrive $0xFFFF;
	s2 =	simm.s32 @!p0 $0x1C04  }
0x8d: {  	[timem:s3], [sflag:s2] =	dma.local @!p0 [hbm:s0], s1  }
0x8e: {  	s0 =	simm.s32 @!p0 $0x4  }
0x8f: {  	_ =	swait.ge @!p0 [sflag:s0], s1  }
0x90: {  	s1 =	ssub.s32 @!p0 $0x0, s1;
	[sflag:s0] =	ssyncset.done @!p0 $0x0  }
0x91: {  	[sflag:s0] =	ssyncadd.s32 @!p0 s1  }
0x92: {  	[bflag:$0x3] =	sbarrier.arrive $0xFFFF  }
0x93: {  	_ =	shalt  }

// kernel: kernel.17.cloned.1.call-start
scs
__scs_entry_jumppad:
0x0: {  	(pc) =	sbr.rel $0x88, $3  }
0x1: {  	(tag) =	ssettag $0x0;
	lr =	simm.s32 $0x1  }
0x2: {  	[smem:$0x3F97] =	sst lr;
	_ =	strace $0xD0000000  }
0x3: {  	_ = 	snop  }
0x4: {  	_ = 	snop  }
0x5: {  	_ = 	snop  }
0x6: {  	_ = 	snop  }
0x7: {  	_ = 	snop  }
__scs_overlays_trampoline_lowered:
0x8: {  	[smem:$0x3FA6] =	sst s0  }
0x9: {  	[smem:$0x3FA7] =	sst s1  }
0xa: {  	[smem:$0x3FA8] =	sst s2  }
0xb: {  	[smem:$0x3FA9] =	sst s3  }
0xc: {  	[smem:$0x3FAA] =	sst s4  }
0xd: {  	[smem:$0x3FAB] =	sst s5  }
0xe: {  	[smem:$0x3FAC] =	sst s6  }
0xf: {  	[smem:$0x3FAD] =	sst s7  }
0x10: {  	[smem:$0x3FAE] =	sst s8  }
0x11: {  	[smem:$0x3FAF] =	sst s9;
	s0 =	simm.s32 @!p0 $0x0  }
0x12: {  	s1 =	sld [smem:$0x3F95];
	s0 =	simm.s32 @p0 $0x1  }
0x13: {  	[smem:$0x3FB0] =	sst s0;
	s0 =	simm.s32 @!p1 $0x0  }
0x14: {  	s2 =	sld [smem:$0x3F94];
	s0 =	simm.s32 @p1 $0x1  }
0x15: {  	[smem:$0x3FB1] =	sst s0;
	s0 =	simm.s32 @!p2 $0x0  }
0x16: {  	s3 =	sld [smem:$0x3FDB];
	s0 =	simm.s32 @p2 $0x1  }
0x17: {  	s4 =	simm.s32 $0x1BF5;
	[smem:$0x3FB3] =	sst s0  }
0x18: {  	s0 =	sld [smem:$0x3F96];
	_ =	swait.ge [sflag:s4], $0x0  }
0x19: {  	s7 =	sld [smem:$0x3F97]  }
0x1a: {  	s8 =	sadd.s32 $0xFFFFE003, lr  }
0x1b: {  	s9 =	sadd.s32 $0xFFFFFEF7, lr;
	s5 =	simm.s32 $0xFFFFFFFF;
	p2 =	slt.u32 s8, $0xFFFFF086  }
0x1c: {  	p1 =	slt.u32 s9, $0xF7A;
	s5 =	simm.s32 @!p2 $0x0  }
0x1d: {  	s5 =	simm.s32 @p1 $0x1;
	p0 =	seq.s32 s7, s2  }
0x1e: {  	s7 =	smul.u32 @!p0 $0xF7A, s2;
	p2 =	seq.s32 @!p0 s5, $0x0  }
0x1f: {  	s9 =	smul.u32 $0xF7A, s1;
	s8 =	simm.s32 @!p0 $0x1BF5;
	p2 =	por !p2, p0  }
0x20: {  	[sflag:s8] =	ssyncset.s32 @!p0 $0xFFFFF086;
	s6 =	sadd.s32 @!p0 s3, s7;
	s7 =	simm.s32 @!p0 $0x108  }
0x21: {  	s3 =	sadd.s32 s3, s9;
	s6 =	sadd.s32 @!p0 $0x88, s6;
	s7 =	simm.s32 @p2 $0x1082  }
0x22: {  	[simem:s7], [sflag:s8] =	dma.local @!p0 [hbm:s6], $0xF7A  }
0x23: {  	s9 =	sor.u32 $0xD0000000, s2;
	s6 =	simm.s32 $0x108;
	_ =	swait.ge @!p0 [sflag:s8], $0x0  }
0x24: {  	s3 =	sadd.s32 $0x88, s3;
	s6 =	simm.s32 @!p1 $0x1082;
	[sflag:s4] =	ssyncset.s32 $0xFFFFF086  }
0x25: {  	[simem:s6], [sflag:s4] =	dma.local [hbm:s3], $0xF7A  }
0x26: {  	[smem:$0x3F97] =	sst s1;
	(tag) =	ssettag s2;
	_ =	strace s9  }
0x27: {  	s1 =	sld [smem:$0x3FA7]  }
0x28: {  	s2 =	sld [smem:$0x3FA8]  }
0x29: {  	s4 =	sld [smem:$0x3FAA]  }
0x2a: {  	p0 =	seq.s32 s5, $0x0;
	s5 =	sld [smem:$0x3FAB]  }
0x2b: {  	s6 =	sld [smem:$0x3FAC]  }
0x2c: {  	s7 =	sld [smem:$0x3FAD]  }
0x2d: {  	s3 =	simm.s32 $0x108;
	s8 =	sld [smem:$0x3FAE]  }
0x2e: {  	s3 =	simm.s32 @!p0 $0x1082;
	s9 =	sld [smem:$0x3FAF]  }
0x2f: {  	lr =	sadd.s32 s0, s3;
	s0 =	sld [smem:$0x3FA6]  }
0x30: {  	s3 =	sld [smem:$0x3FA9]  }
0x31: {  	[smem:$0x3FB2] =	sst s10  }
0x32: {  	s10 =	sld [smem:$0x3FB0];
	_ =	sdelay $0x3  }
0x33: {  	p0 =	seq.s32 s10, $0x1;
	s10 =	sld [smem:$0x3FB2];
	_ =	sdelay $0x3  }
0x34: {  	[smem:$0x3FB2] =	sst s10  }
0x35: {  	s10 =	sld [smem:$0x3FB1];
	_ =	sdelay $0x3  }
0x36: {  	p1 =	seq.s32 s10, $0x1;
	s10 =	sld [smem:$0x3FB2];
	_ =	sdelay $0x3  }
0x37: {  	[smem:$0x3FB2] =	sst s10  }
0x38: {  	s10 =	sld [smem:$0x3FB3]  }
0x39: {  	_ = 	snop;
	(pc) =	sbr.ind lr, $3  }
0x3a: {  	_ = 	snop  }
0x3b: {  	_ = 	snop  }
0x3c: {  	p2 =	seq.s32 s10, $0x1;
	s10 =	sld [smem:$0x3FB2]  }
0x3d: {  	_ =	shalt  }
0x3e: {  	_ =	shalt  }
0x3f: {  	_ =	shalt  }
0x40: {  	_ =	shalt  }
0x41: {  	_ =	shalt  }
0x42: {  	_ =	shalt  }
0x43: {  	_ =	shalt  }
0x44: {  	_ =	shalt  }
0x45: {  	_ =	shalt  }
0x46: {  	_ =	shalt  }
0x47: {  	_ =	shalt  }
0x48: {  	_ =	shalt  }
0x49: {  	_ =	shalt  }
0x4a: {  	_ =	shalt  }
0x4b: {  	_ =	shalt  }
0x4c: {  	_ =	shalt  }
0x4d: {  	_ =	shalt  }
0x4e: {  	_ =	shalt  }
0x4f: {  	_ =	shalt  }
0x50: {  	_ =	shalt  }
0x51: {  	_ =	shalt  }
0x52: {  	_ =	shalt  }
0x53: {  	_ =	shalt  }
0x54: {  	_ =	shalt  }
0x55: {  	_ =	shalt  }
0x56: {  	_ =	shalt  }
0x57: {  	_ =	shalt  }
0x58: {  	_ =	shalt  }
0x59: {  	_ =	shalt  }
0x5a: {  	_ =	shalt  }
0x5b: {  	_ =	shalt  }
0x5c: {  	_ =	shalt  }
0x5d: {  	_ =	shalt  }
0x5e: {  	_ =	shalt  }
0x5f: {  	_ =	shalt  }
0x60: {  	_ =	shalt  }
0x61: {  	_ =	shalt  }
0x62: {  	_ =	shalt  }
0x63: {  	_ =	shalt  }
0x64: {  	_ =	shalt  }
0x65: {  	_ =	shalt  }
0x66: {  	_ =	shalt  }
0x67: {  	_ =	shalt  }
0x68: {  	_ =	shalt  }
0x69: {  	_ =	shalt  }
0x6a: {  	_ =	shalt  }
0x6b: {  	_ =	shalt  }
0x6c: {  	_ =	shalt  }
0x6d: {  	_ =	shalt  }
0x6e: {  	_ =	shalt  }
0x6f: {  	_ =	shalt  }
0x70: {  	_ =	shalt  }
0x71: {  	_ =	shalt  }
0x72: {  	_ =	shalt  }
0x73: {  	_ =	shalt  }
0x74: {  	_ =	shalt  }
0x75: {  	_ =	shalt  }
0x76: {  	_ =	shalt  }
0x77: {  	_ =	shalt  }
0x78: {  	_ =	shalt  }
0x79: {  	_ =	shalt  }
0x7a: {  	_ =	shalt  }
0x7b: {  	_ =	shalt  }
0x7c: {  	_ =	shalt  }
0x7d: {  	_ =	shalt  }
0x7e: {  	_ =	shalt  }
0x7f: {  	_ =	shalt  }
0x80: {  	_ =	shalt  }
0x81: {  	_ =	shalt  }
0x82: {  	_ =	shalt  }
0x83: {  	_ =	shalt  }
0x84: {  	_ =	shalt  }
0x85: {  	_ =	shalt  }
0x86: {  	_ =	shalt  }
0x87: {  	_ =	shalt  }
.Lfunc_end0:
.L_simem_size_0:
called_computation.2_lowered:
.L_overlay_start_0:
0x88: {  	s2 =	sld [smem:$0x3FD9]  }
0x89: {  	s3 =	sld [smem:$0x3FFE];
	_ =	sdelay $0x1  }
0x8a: {  	s1 =	srdreg.scid  }
0x8b: {  	s0 =	sand.u32 $0x1, s1  }
0x8c: {  	s14 =	sshll.u32 s0, $0xA;
	s2 =	sadd.s32 s3, s2  }
0x8d: {  	s2 =	sadd.s32 s2, s14  }
0x8e: {  	[smem:$0x3FBE] =	sst s2  }
0x8f: {  	_ = 	snop  }
0x90: {  	s2 =	sld [smem:$0x3FD0];
	_ =	sdelay $0x2  }
0x91: {  	s15 =	simm.s32 $0xA;
	s4 =	simm.s32 $0x10  }
0x92: {  	[smem:s4], [sflag:s15] =	dma.local [hbm:s2], $0x1  }
0x93: {  	_ =	swait.eq [sflag:s15], $0x1  }
0x94: {  	[sflag:s15] =	ssyncset.done $0x0  }
0x95: {  	[sflag:s15] =	ssyncadd.s32 $0xFFFFFFFF  }
0x96: {  	s16 =	sld [smem:$0x10];
	(tm) =	ssettm $0x1  }
0x97: {  	s17 =	sld [smem:$0x3FFB];
	_ =	sdelay $0x3  }
0x98: {  	_ =	strace s17  }
0x99: {  	s3 =	sld [smem:$0x3FFC];
	_ =	sdelay $0x3  }
0x9a: {  	_ =	strace s3  }
0x9b: {  	s3 =	sld [smem:$0x3FFD];
	_ =	sdelay $0x3  }
0x9c: {  	_ =	strace s3  }
0x9d: {  	_ =	strace $0x8FFFFFFF  }
0x9e: {  	s18 =	sld [smem:$0x3FDB];
	_ =	sdelay $0x1  }
0x9f: {  	s19 =	simm.s32 $_scs_section_size  }
0xa0: {  	s5 =	simm.s32 $_size__tile_overlayer_lowered;
	s6 =	simm.s32 $_tile_overlayer_lowered  }
0xa1: {  	s22 =	simm.s32 $0x1BFF;
	s21 =	sshll.u32 s6, $0x1;
	s3 =	sadd.s32 s19, s18  }
0xa2: {  	s7 =	simm.s32 $0x0;
	s20 =	sshll.u32 s5, $0x1;
	s5 =	sadd.s32 s21, s3  }
0xa3: {  	[timem:s7], [sflag:s22] =	dma.local [hbm:s5], s20  }
0xa4: {  	_ =	swait.ge [sflag:s22], s20  }
0xa5: {  	s4 =	ssub.s32 $0x0, s20;
	[sflag:s22] =	ssyncset.done $0x0  }
0xa6: {  	[sflag:s22] =	ssyncadd.s32 s4;
	_ =	sdelay $0x1  }
0xa7: {  	s23 =	simm.s32 $0x1B8B  }
0xa8: {  	_ =	swait.ge [sflag:s23], $0x1  }
0xa9: {  	[sflag:s23] =	ssyncset.done $0x0  }
0xaa: {  	s25 =	simm.s32 $0x1B8E;
	s24 =	sld [smem:$0x3FFE];
	[sflag:s23] =	ssyncadd.s32 $0xFFFFFFFF  }
0xab: {  	s26 =	simm.s32 $execute0_lowered;
	[smem:$0x3FD2] =	sst s25  }
0xac: {  	s5 =	sshll.u32 s26, $0x1;
	_ =	strace $0x8000004C;
	[dreg:$0x1] =	wrdreg $0xFFFFFFFF  }
0xad: {  	s28 =	simm.s32 $_size_execute0_lowered;
	s3 =	sadd.s32 s3, s5;
	[dreg:$0x0] =	wrdreg $0x0  }
0xae: {  	s5 =	sshll.u32 s28, $0x1;
	[dreg:$0x2] =	wrdreg s3  }
0xaf: {  	[dreg:$0x3] =	wrdreg s5  }
0xb0: {  	[dreg:$0x4] =	wrdreg $0xC0  }
0xb1: {  	_ =	task [dreg:s7], $0x5FFFF  }
0xb2: {  	[dreg:$0x1] =	wrdreg $0xFFFFFFFF  }
0xb3: {  	[dreg:$0x0] =	wrdreg $0x60  }
0xb4: {  	[dreg:$0x2] =	wrdreg s16  }
0xb5: {  	[dreg:$0x3] =	wrdreg s24  }
0xb6: {  	[dreg:$0x4] =	wrdreg $0x9  }
0xb7: {  	_ =	task.clear_ibuf [dreg:s7], $0x5FFFF;
	_ =	strace $0x9000004C  }
0xb8: {  	s29 =	simm.s32 $0x9;
	_ =	strace $0x8000004E  }
0xb9: {  	_ =	swait.ge [sflag:s29], $0x1  }
0xba: {  	[sflag:s29] =	ssyncadd.s32 $0xFFFFFFFF  }
0xbb: {  	_ =	strace $0x9000004E  }
0xbc: {  	_ =	sfence  }
0xbd: {  	s30 =	sld [smem:$0x0];
	_ =	sdelay $0x2  }
0xbe: {  	s31 =	sshll.u32 s1, $0xD;
	s1 =	sshrl.u32 s1, $0x2  }
0xbf: {  	s3 =	sand.u32 $0x4000, s31;
	s1 =	sadd.s32 s1, s30  }
0xc0: {  	s0 =	sor.u32 s3, s0;
	s1 =	sshll.u32 s1, $0x11  }
0xc1: {  	s0 =	sor.u32 s1, s0  }
0xc2: {  	s0 =	sadd.s32 $0x8F2B, s0  }
0xc3: {  	[sflag:s0] =	ssyncadd.remote.s32 $0x1  }
0xc4: {  	_ =	sfence.sel $0xFFFF  }
0xc5: {  	[dreg:$0x0] =	wrdreg $0xFFFFFFFF;
	(pc) =	sbr.abs _section_cstart, $3  }
0xc6: {  	[dreg:$0x1] =	wrdreg $0xFFFFFFFF  }
0xc7: {  	_ =	task.clear_ibuf [dreg:s7], $0x2FFFF;
	_ =	strace $0x9FFFFFFF  }
0xc8: {  	(tm) =	ssettm $0x7FFFFFFF  }
0xc9: {  	_ =	shalt  }
tec
execute0_lowered:
.L_overlay_start_1:
0x0: {  	(tag) =	ssettag $0x1  }
0x1: {  	s1 =	srdreg.scid;
	s2 =	rddreg [dreg:$0x0]  }
0x2: {  	s0 =	stileid.u32;
	s5 =	rddreg [dreg:$0x1]  }
0x3: {  	s3 =	simm.s32 $0x0;
	s9 =	simm.s32 $0x4E20;
	s10 =	simm.s32 $0x1  }
0x4: {  	s11 =	simm.s32 $0x2;
	s4 =	sand.u32 $0x1, s1;
	s31 =	sshll.u32 s0, $0x1  }
0x5: {  	s12 =	simm.s32 $0x3;
	s13 =	simm.s32 $0xEA60;
	s6 =	sor.u32 s4, s31  }
0x6: {  	s14 =	simm.s32 $0x4;
	s1 =	rddreg [dreg:$0x2];
	s7 =	smul.u32 $0x4E20, s6  }
0x7: {  	s15 =	simm.s32 $0x0;
	[smem:$0x7FF] =	sst s3;
	s6 =	smul.u32 $0x1390, s6  }
0x8: {  	s4 =	ssub.s32 $0x2, s4;
	_ =	strace $0x8000004D;
	s7 =	sshrl.u32 s7, $0x3  }
0x9: {  	s8 =	sshrl.u32 s4, $0x1;
	s6 =	sadd.s32 s6, s5;
	s7 =	sadd.s32 s7, s5  }
0xa: {  	s8 =	ssub.s32 s4, s8;
	s6 =	sadd.s32 $0x21C00, s6;
	s4 =	sadd.s32 $0xE200, s7  }
0xb: {  	v0 =	vimm.f32 $0.0e+00;
	s5 =	sadd.s32 $0xE6E2, s7;
	s7 =	smax.u32 s8, $0x1;
	s8 =	simm.s32 $0x2710  }
.LBB2_1:
0xc: {  	[tilespmem:s3], [sflag:$0x1] =	stream.linear.gather [hbm4b:s4+s3], $0x2710, $0x38;
	[tilespmem:$0x186A0] =	vst v63  }
0xd: {  	_ = 	snop  }
0xe: {  	[tilespmem:s8], [sflag:$0x2] =	stream.linear.gather [hbm4b:s5+s3], $0x2710, $0x38;
	[tilespmem:$0x186A0] =	vst v63  }
0xf: {  	s16 =	simm.s32 $0x0;
	s17 =	simm.s32 $0x280  }
0x10: {  	[tilespmem:s9], [sflag:$0x3] =	stream.linear.gather [hbm4b:s2+s3], $0x9C40, $0x38;
	[tilespmem:$0x186A0] =	vst v63  }
.LBB2_2:
0x11: {  	p0 =	sne.s32 s17, $0x26E80;
	[tilespmem:s16+$0xEAF0] =	vst v0  }
0x12: {  	[tilespmem:s16+$0xEA60] =	vst v0  }
0x13: {  	[tilespmem:s16+$0xEA70] =	vst v0  }
0x14: {  	[tilespmem:s16+$0xEA80] =	vst v0  }
0x15: {  	[tilespmem:s16+$0xEA90] =	vst v0  }
.Ltmp0:
0x16: {  	[tilespmem:s16+$0xEAA0] =	vst v0;
	(pc) =	sbr.rel @p0 .LBB2_2-.Ltmp0, $4  }
0x17: {  	[tilespmem:s16+$0xEAB0] =	vst v0  }
0x18: {  	[tilespmem:s16+$0xEAC0] =	vst v0  }
0x19: {  	[tilespmem:s16+$0xEAD0] =	vst v0  }
0x1a: {  	[tilespmem:s16+$0xEAE0] =	vst v0;
	s16 =	sshra.s32 s17, $0x2;
	s17 =	sadd.s32 $0x280, s17  }
0x1b: {  	[tilespmem:s16+$0xEAF0] =	vst v0  }
0x1c: {  	[tilespmem:s16+$0xEA60] =	vst v0  }
0x1d: {  	[tilespmem:s16+$0xEA70] =	vst v0  }
0x1e: {  	[tilespmem:s16+$0xEA80] =	vst v0  }
0x1f: {  	[tilespmem:s16+$0xEA90] =	vst v0  }
0x20: {  	[tilespmem:s16+$0xEAA0] =	vst v0  }
0x21: {  	[tilespmem:s16+$0xEAB0] =	vst v0  }
0x22: {  	[tilespmem:s16+$0xEAC0] =	vst v0  }
0x23: {  	[tilespmem:s16+$0xEAD0] =	vst v0  }
0x24: {  	[tilespmem:s16+$0xEAE0] =	vst v0  }
0x25: {  	_ =	swait.ge [sflag:s10], $0x2710  }
0x26: {  	[sflag:s10] =	ssyncset.done $0x0  }
0x27: {  	[sflag:s10] =	ssyncadd.s32 $0xFFFFD8F0  }
0x28: {  	_ =	swait.ge [sflag:s11], $0x2710  }
0x29: {  	[sflag:s11] =	ssyncset.done $0x0  }
0x2a: {  	[sflag:s11] =	ssyncadd.s32 $0xFFFFD8F0  }
0x2b: {  	_ =	swait.ge [sflag:s12], $0x9C40  }
0x2c: {  	[sflag:s12] =	ssyncset.done $0x0  }
0x2d: {  	s31 =	simm.s32 $0x0;
	[sflag:s12] =	ssyncadd.s32 $0xFFFF63C0  }
0x2e: {  	v1 =	vld [tilespmem:s31+$0x0];
	_ =	sdelay $0x4  }
0x2f: {  	v3 =	vld [tilespmem:s31+$0x2710];
	v2 =	vadd.s32 $0x2710, v1  }
0x30: {  	v4 =	vadd.s32 $0x4E20, v1  }
0x31: {  	v5 =	vadd.s32 $0x7530, v1  }
0x32: {  	v6 =	vld [tilespmem:s31+$0x10]  }
0x33: {  	v1 =	vld.idx.msk [tilespmem:v1+s9+$0x0], $0xffff  }
0x34: {  	v7 =	vadd.s32 $0x2710, v3;
	v2 =	vld.idx.msk [tilespmem:v2+s9+$0x0], $0xffff  }
0x35: {  	v8 =	vadd.s32 $0x4E20, v3;
	v4 =	vld.idx.msk [tilespmem:v4+s9+$0x0], $0xffff  }
0x36: {  	v9 =	vadd.s32 $0x7530, v3;
	v5 =	vld.idx.msk [tilespmem:v5+s9+$0x0], $0xffff  }
0x37: {  	v10 =	vld [tilespmem:s31+$0x2720]  }
0x38: {  	[tilespmem:v3+s13+$0x0] =	vst.idx.add.f32.msk $0xffff, v1;
	v1 =	vadd.s32 $0x2710, v6  }
0x39: {  	[tilespmem:v7+s13+$0x0] =	vst.idx.add.f32.msk $0xffff, v2;
	v2 =	vadd.s32 $0x4E20, v6  }
0x3a: {  	[tilespmem:v8+s13+$0x0] =	vst.idx.add.f32.msk $0xffff, v4  }
0x3b: {  	v3 =	vadd.s32 $0x7530, v6;
	[tilespmem:v9+s13+$0x0] =	vst.idx.add.f32.msk $0xffff, v5  }
0x3c: {  	v4 =	vld.idx.msk [tilespmem:v6+s9+$0x0], $0xffff  }
0x3d: {  	v62 =	vadd.s32 $0x2710, v10;
	v5 =	vld.idx.msk [tilespmem:v1+s9+$0x0], $0xffff  }
0x3e: {  	v63 =	vadd.s32 $0x4E20, v10;
	v7 =	vld.idx.msk [tilespmem:v2+s9+$0x0], $0xffff;
	_ =	sdelay $0x1  }
0x3f: {  	v1 =	vld.idx.msk [tilespmem:v3+s9+$0x0], $0xffff;
	v2 =	vadd.s32 $0x7530, v10  }
0x40: {  	[tilespmem:v10+s13+$0x0] =	vst.idx.add.f32.msk $0xffff, v4  }
0x41: {  	[tilespmem:v62+s13+$0x0] =	vst.idx.add.f32.msk $0xffff, v5  }
0x42: {  	s16 =	simm.s32 $0x80;
	s17 =	simm.s32 $0x100;
	[tilespmem:v63+s13+$0x0] =	vst.idx.add.f32.msk $0xffff, v7  }
.LBB2_4:
0x43: {  	p0 =	sne.s32 s17, $0x9B80  }
0x44: {  	s18 =	sshra.s32 s16, $0x2;
	[tilespmem:v2+s13+$0x0] =	vst.idx.add.f32.msk $0xffff, v1;
	s16 =	smov.u32 s17;
	s17 =	sadd.s32 $0x80, s17  }
0x45: {  	v1 =	vld [tilespmem:s18+$0x0];
	_ =	sdelay $0x4  }
0x46: {  	v2 =	vadd.s32 $0x2710, v1;
	v3 =	vadd.s32 $0x4E20, v1;
	v4 =	vadd.s32 $0x7530, v1  }
0x47: {  	v5 =	vld [tilespmem:s18+$0x2710];
	_ =	sdelay $0x1  }
0x48: {  	v6 =	vld [tilespmem:s18+$0x10]  }
0x49: {  	v1 =	vld.idx.msk [tilespmem:v1+s9+$0x0], $0xffff  }
0x4a: {  	v2 =	vld.idx.msk [tilespmem:v2+s9+$0x0], $0xffff  }
0x4b: {  	v3 =	vld.idx.msk [tilespmem:v3+s9+$0x0], $0xffff;
	v7 =	vadd.s32 $0x2710, v5  }
0x4c: {  	v8 =	vadd.s32 $0x4E20, v5;
	v4 =	vld.idx.msk [tilespmem:v4+s9+$0x0], $0xffff  }
0x4d: {  	v9 =	vadd.s32 $0x7530, v5  }
0x4e: {  	v10 =	vld [tilespmem:s18+$0x2720]  }
0x4f: {  	[tilespmem:v5+s13+$0x0] =	vst.idx.add.f32.msk $0xffff, v1;
	v1 =	vadd.s32 $0x2710, v6  }
0x50: {  	[tilespmem:v7+s13+$0x0] =	vst.idx.add.f32.msk $0xffff, v2;
	v2 =	vadd.s32 $0x4E20, v6  }
0x51: {  	[tilespmem:v8+s13+$0x0] =	vst.idx.add.f32.msk $0xffff, v3;
	v3 =	vadd.s32 $0x7530, v6  }
0x52: {  	[tilespmem:v9+s13+$0x0] =	vst.idx.add.f32.msk $0xffff, v4  }
0x53: {  	v4 =	vld.idx.msk [tilespmem:v6+s9+$0x0], $0xffff  }
0x54: {  	v5 =	vld.idx.msk [tilespmem:v1+s9+$0x0], $0xffff  }
0x55: {  	v7 =	vadd.s32 $0x2710, v10;
	v6 =	vld.idx.msk [tilespmem:v2+s9+$0x0], $0xffff  }
0x56: {  	v1 =	vld.idx.msk [tilespmem:v3+s9+$0x0], $0xffff;
	v3 =	vadd.s32 $0x4E20, v10  }
.Ltmp1:
0x57: {  	v2 =	vadd.s32 $0x7530, v10;
	(pc) =	sbr.rel @p0 .LBB2_4-.Ltmp1, $4  }
0x58: {  	_ = 	snop  }
0x59: {  	[tilespmem:v10+s13+$0x0] =	vst.idx.add.f32.msk $0xffff, v4  }
0x5a: {  	[tilespmem:v7+s13+$0x0] =	vst.idx.add.f32.msk $0xffff, v5  }
0x5b: {  	[tilespmem:v3+s13+$0x0] =	vst.idx.add.f32.msk $0xffff, v6  }
0x5c: {  	_ =	sdelay $0x3  }
0x5d: {  	s16 =	sshra.s32 s16, $0x2;
	[tilespmem:v2+s13+$0x0] =	vst.idx.add.f32.msk $0xffff, v1  }
0x5e: {  	v1 =	vld [tilespmem:s16+$0x0];
	_ =	sdelay $0x4  }
0x5f: {  	v3 =	vld [tilespmem:s16+$0x2710];
	v2 =	vadd.s32 $0x2710, v1  }
0x60: {  	v4 =	vadd.s32 $0x4E20, v1  }
0x61: {  	v5 =	vadd.s32 $0x7530, v1  }
0x62: {  	v6 =	vld [tilespmem:s16+$0x10]  }
0x63: {  	v1 =	vld.idx.msk [tilespmem:v1+s9+$0x0], $0xffff  }
0x64: {  	v7 =	vadd.s32 $0x2710, v3;
	v2 =	vld.idx.msk [tilespmem:v2+s9+$0x0], $0xffff  }
0x65: {  	v8 =	vadd.s32 $0x4E20, v3;
	v4 =	vld.idx.msk [tilespmem:v4+s9+$0x0], $0xffff  }
0x66: {  	v9 =	vadd.s32 $0x7530, v3;
	v5 =	vld.idx.msk [tilespmem:v5+s9+$0x0], $0xffff  }
0x67: {  	v10 =	vld [tilespmem:s16+$0x2720]  }
0x68: {  	[tilespmem:v3+s13+$0x0] =	vst.idx.add.f32.msk $0xffff, v1;
	v1 =	vadd.s32 $0x2710, v6  }
0x69: {  	[tilespmem:v7+s13+$0x0] =	vst.idx.add.f32.msk $0xffff, v2;
	v2 =	vadd.s32 $0x4E20, v6  }
0x6a: {  	v3 =	vadd.s32 $0x7530, v6;
	[tilespmem:v8+s13+$0x0] =	vst.idx.add.f32.msk $0xffff, v4  }
0x6b: {  	[tilespmem:v9+s13+$0x0] =	vst.idx.add.f32.msk $0xffff, v5  }
0x6c: {  	v4 =	vld.idx.msk [tilespmem:v6+s9+$0x0], $0xffff  }
0x6d: {  	v56 =	vadd.s32 $0x2710, v10;
	v1 =	vld.idx.msk [tilespmem:v1+s9+$0x0], $0xffff  }
0x6e: {  	v57 =	vadd.s32 $0x4E20, v10;
	v2 =	vld.idx.msk [tilespmem:v2+s9+$0x0], $0xffff  }
0x6f: {  	v58 =	vadd.s32 $0x7530, v10;
	v3 =	vld.idx.msk [tilespmem:v3+s9+$0x0], $0xffff;
	_ =	sdelay $0x1  }
0x70: {  	[tilespmem:v10+s13+$0x0] =	vst.idx.add.f32.msk $0xffff, v4  }
0x71: {  	[tilespmem:v56+s13+$0x0] =	vst.idx.add.f32.msk $0xffff, v1  }
0x72: {  	[tilespmem:v57+s13+$0x0] =	vst.idx.add.f32.msk $0xffff, v2  }
0x73: {  	[tilespmem:v58+s13+$0x0] =	vst.idx.add.f32.msk $0xffff, v3  }
0x74: {  	v1 =	vld [tilespmem:$0x2700];
	_ =	sdelay $0x4  }
0x75: {  	v2 =	vld [tilespmem:$0x4E10];
	v3 =	vadd.s32 $0x2710, v1  }
0x76: {  	v59 =	vadd.s32 $0x4E20, v1  }
0x77: {  	v60 =	vadd.s32 $0x7530, v1;
	_ =	sdelay $0x1  }
0x78: {  	v1 =	vld.idx.msk [tilespmem:v1+s9+$0x0], $0xffff  }
0x79: {  	v61 =	vadd.s32 $0x2710, v2;
	v3 =	vld.idx.msk [tilespmem:v3+s9+$0x0], $0xffff  }
0x7a: {  	v62 =	vadd.s32 $0x4E20, v2;
	v4 =	vld.idx.msk [tilespmem:v59+s9+$0x0], $0xffff  }
0x7b: {  	v63 =	vadd.s32 $0x7530, v2;
	v5 =	vld.idx.msk [tilespmem:v60+s9+$0x0], $0xffff;
	_ =	sdelay $0x1  }
0x7c: {  	[tilespmem:v2+s13+$0x0] =	vst.idx.add.f32.msk $0xffff, v1  }
0x7d: {  	s15 =	sadd.s32 $0x1, s15;
	[tilespmem:v61+s13+$0x0] =	vst.idx.add.f32.msk $0xffff, v3  }
0x7e: {  	p0 =	sne.s32 s15, s7;
	[tilespmem:v62+s13+$0x0] =	vst.idx.add.f32.msk $0xffff, v4  }
.Ltmp2:
0x7f: {  	[tilespmem:v63+s13+$0x0] =	vst.idx.add.f32.msk $0xffff, v5;
	(pc) =	sbr.rel @p0 .LBB2_1-.Ltmp2, $4  }
0x80: {  	[hbm4b:s6+s3] =	stream.linear.scatter [tilespmem:s13], [sflag:$0x4], $0x9C40, $0x38;
	[tilespmem:$0x186A0] =	vst v63  }
0x81: {  	_ =	swait.ge [sflag:s14], $0x9C40  }
0x82: {  	[sflag:s14] =	ssyncset.done $0x0  }
0x83: {  	[sflag:s14] =	ssyncadd.s32 $0xFFFF63C0  }
0x84: {  	_ =	sfence.sel $0x180000  }
0x85: {  	[bflag:$0x0] =	sbarrier.arrive $0xFFFF  }
0x86: {  	p0 =	sne.s32 s0, $0x0;
	_ =	strace $0x9000004D  }
0x87: {  	s0 =	sadd.s32 @!p0 $0x100000, s1;
	[bflag:$0x2] =	sbarrier.arrive $0xFFFF  }
0x88: {  	[sflag:s0] =	ssyncadd.tile.s32 @!p0 $0x1;
	_ =	shalt  }
.Lfunc_end2:
_tile_overlayer_lowered:
.L_overlay_start_2:
0x89: {  	(tag) =	ssettag $0x2  }
0x8a: {  	s0 =	rddreg [dreg:$0x0];
	s2 =	stileid.u32  }
0x8b: {  	s1 =	rddreg [dreg:$0x1];
	p0 =	sne.s32 s2, $0x0  }
0x8c: {  	s3 =	rddreg [dreg:$0x2];
	[bflag:$0x3] =	sbarrier.arrive $0xFFFF;
	s2 =	simm.s32 @!p0 $0x1C04  }
0x8d: {  	[timem:s3], [sflag:s2] =	dma.local @!p0 [hbm:s0], s1  }
0x8e: {  	s0 =	simm.s32 @!p0 $0x4  }
0x8f: {  	_ =	swait.ge @!p0 [sflag:s0], s1  }
0x90: {  	s1 =	ssub.s32 @!p0 $0x0, s1;
	[sflag:s0] =	ssyncset.done @!p0 $0x0  }
0x91: {  	[sflag:s0] =	ssyncadd.s32 @!p0 s1  }
0x92: {  	[bflag:$0x3] =	sbarrier.arrive $0xFFFF  }
0x93: {  	_ =	shalt  }

// kernel: kernel.20.cloned.1.call-start
scs
__scs_entry_jumppad:
0x0: {  	(pc) =	sbr.rel $0x88, $3  }
0x1: {  	(tag) =	ssettag $0x0;
	lr =	simm.s32 $0x1  }
0x2: {  	[smem:$0x3F97] =	sst lr;
	_ =	strace $0xD0000000  }
0x3: {  	_ = 	snop  }
0x4: {  	_ = 	snop  }
0x5: {  	_ = 	snop  }
0x6: {  	_ = 	snop  }
0x7: {  	_ = 	snop  }
__scs_overlays_trampoline_lowered:
0x8: {  	[smem:$0x3FA6] =	sst s0  }
0x9: {  	[smem:$0x3FA7] =	sst s1  }
0xa: {  	[smem:$0x3FA8] =	sst s2  }
0xb: {  	[smem:$0x3FA9] =	sst s3  }
0xc: {  	[smem:$0x3FAA] =	sst s4  }
0xd: {  	[smem:$0x3FAB] =	sst s5  }
0xe: {  	[smem:$0x3FAC] =	sst s6  }
0xf: {  	[smem:$0x3FAD] =	sst s7  }
0x10: {  	[smem:$0x3FAE] =	sst s8  }
0x11: {  	[smem:$0x3FAF] =	sst s9;
	s0 =	simm.s32 @!p0 $0x0  }
0x12: {  	s1 =	sld [smem:$0x3F95];
	s0 =	simm.s32 @p0 $0x1  }
0x13: {  	[smem:$0x3FB0] =	sst s0;
	s0 =	simm.s32 @!p1 $0x0  }
0x14: {  	s2 =	sld [smem:$0x3F94];
	s0 =	simm.s32 @p1 $0x1  }
0x15: {  	[smem:$0x3FB1] =	sst s0;
	s0 =	simm.s32 @!p2 $0x0  }
0x16: {  	s3 =	sld [smem:$0x3FDB];
	s0 =	simm.s32 @p2 $0x1  }
0x17: {  	s4 =	simm.s32 $0x1BF5;
	[smem:$0x3FB3] =	sst s0  }
0x18: {  	s0 =	sld [smem:$0x3F96];
	_ =	swait.ge [sflag:s4], $0x0  }
0x19: {  	s7 =	sld [smem:$0x3F97]  }
0x1a: {  	s8 =	sadd.s32 $0xFFFFE003, lr  }
0x1b: {  	s9 =	sadd.s32 $0xFFFFFEF7, lr;
	s5 =	simm.s32 $0xFFFFFFFF;
	p2 =	slt.u32 s8, $0xFFFFF086  }
0x1c: {  	p1 =	slt.u32 s9, $0xF7A;
	s5 =	simm.s32 @!p2 $0x0  }
0x1d: {  	s5 =	simm.s32 @p1 $0x1;
	p0 =	seq.s32 s7, s2  }
0x1e: {  	s7 =	smul.u32 @!p0 $0xF7A, s2;
	p2 =	seq.s32 @!p0 s5, $0x0  }
0x1f: {  	s9 =	smul.u32 $0xF7A, s1;
	s8 =	simm.s32 @!p0 $0x1BF5;
	p2 =	por !p2, p0  }
0x20: {  	[sflag:s8] =	ssyncset.s32 @!p0 $0xFFFFF086;
	s6 =	sadd.s32 @!p0 s3, s7;
	s7 =	simm.s32 @!p0 $0x108  }
0x21: {  	s3 =	sadd.s32 s3, s9;
	s6 =	sadd.s32 @!p0 $0x88, s6;
	s7 =	simm.s32 @p2 $0x1082  }
0x22: {  	[simem:s7], [sflag:s8] =	dma.local @!p0 [hbm:s6], $0xF7A  }
0x23: {  	s9 =	sor.u32 $0xD0000000, s2;
	s6 =	simm.s32 $0x108;
	_ =	swait.ge @!p0 [sflag:s8], $0x0  }
0x24: {  	s3 =	sadd.s32 $0x88, s3;
	s6 =	simm.s32 @!p1 $0x1082;
	[sflag:s4] =	ssyncset.s32 $0xFFFFF086  }
0x25: {  	[simem:s6], [sflag:s4] =	dma.local [hbm:s3], $0xF7A  }
0x26: {  	[smem:$0x3F97] =	sst s1;
	(tag) =	ssettag s2;
	_ =	strace s9  }
0x27: {  	s1 =	sld [smem:$0x3FA7]  }
0x28: {  	s2 =	sld [smem:$0x3FA8]  }
0x29: {  	s4 =	sld [smem:$0x3FAA]  }
0x2a: {  	p0 =	seq.s32 s5, $0x0;
	s5 =	sld [smem:$0x3FAB]  }
0x2b: {  	s6 =	sld [smem:$0x3FAC]  }
0x2c: {  	s7 =	sld [smem:$0x3FAD]  }
0x2d: {  	s3 =	simm.s32 $0x108;
	s8 =	sld [smem:$0x3FAE]  }
0x2e: {  	s3 =	simm.s32 @!p0 $0x1082;
	s9 =	sld [smem:$0x3FAF]  }
0x2f: {  	lr =	sadd.s32 s0, s3;
	s0 =	sld [smem:$0x3FA6]  }
0x30: {  	s3 =	sld [smem:$0x3FA9]  }
0x31: {  	[smem:$0x3FB2] =	sst s10  }
0x32: {  	s10 =	sld [smem:$0x3FB0];
	_ =	sdelay $0x3  }
0x33: {  	p0 =	seq.s32 s10, $0x1;
	s10 =	sld [smem:$0x3FB2];
	_ =	sdelay $0x3  }
0x34: {  	[smem:$0x3FB2] =	sst s10  }
0x35: {  	s10 =	sld [smem:$0x3FB1];
	_ =	sdelay $0x3  }
0x36: {  	p1 =	seq.s32 s10, $0x1;
	s10 =	sld [smem:$0x3FB2];
	_ =	sdelay $0x3  }
0x37: {  	[smem:$0x3FB2] =	sst s10  }
0x38: {  	s10 =	sld [smem:$0x3FB3]  }
0x39: {  	_ = 	snop;
	(pc) =	sbr.ind lr, $3  }
0x3a: {  	_ = 	snop  }
0x3b: {  	_ = 	snop  }
0x3c: {  	p2 =	seq.s32 s10, $0x1;
	s10 =	sld [smem:$0x3FB2]  }
0x3d: {  	_ =	shalt  }
0x3e: {  	_ =	shalt  }
0x3f: {  	_ =	shalt  }
0x40: {  	_ =	shalt  }
0x41: {  	_ =	shalt  }
0x42: {  	_ =	shalt  }
0x43: {  	_ =	shalt  }
0x44: {  	_ =	shalt  }
0x45: {  	_ =	shalt  }
0x46: {  	_ =	shalt  }
0x47: {  	_ =	shalt  }
0x48: {  	_ =	shalt  }
0x49: {  	_ =	shalt  }
0x4a: {  	_ =	shalt  }
0x4b: {  	_ =	shalt  }
0x4c: {  	_ =	shalt  }
0x4d: {  	_ =	shalt  }
0x4e: {  	_ =	shalt  }
0x4f: {  	_ =	shalt  }
0x50: {  	_ =	shalt  }
0x51: {  	_ =	shalt  }
0x52: {  	_ =	shalt  }
0x53: {  	_ =	shalt  }
0x54: {  	_ =	shalt  }
0x55: {  	_ =	shalt  }
0x56: {  	_ =	shalt  }
0x57: {  	_ =	shalt  }
0x58: {  	_ =	shalt  }
0x59: {  	_ =	shalt  }
0x5a: {  	_ =	shalt  }
0x5b: {  	_ =	shalt  }
0x5c: {  	_ =	shalt  }
0x5d: {  	_ =	shalt  }
0x5e: {  	_ =	shalt  }
0x5f: {  	_ =	shalt  }
0x60: {  	_ =	shalt  }
0x61: {  	_ =	shalt  }
0x62: {  	_ =	shalt  }
0x63: {  	_ =	shalt  }
0x64: {  	_ =	shalt  }
0x65: {  	_ =	shalt  }
0x66: {  	_ =	shalt  }
0x67: {  	_ =	shalt  }
0x68: {  	_ =	shalt  }
0x69: {  	_ =	shalt  }
0x6a: {  	_ =	shalt  }
0x6b: {  	_ =	shalt  }
0x6c: {  	_ =	shalt  }
0x6d: {  	_ =	shalt  }
0x6e: {  	_ =	shalt  }
0x6f: {  	_ =	shalt  }
0x70: {  	_ =	shalt  }
0x71: {  	_ =	shalt  }
0x72: {  	_ =	shalt  }
0x73: {  	_ =	shalt  }
0x74: {  	_ =	shalt  }
0x75: {  	_ =	shalt  }
0x76: {  	_ =	shalt  }
0x77: {  	_ =	shalt  }
0x78: {  	_ =	shalt  }
0x79: {  	_ =	shalt  }
0x7a: {  	_ =	shalt  }
0x7b: {  	_ =	shalt  }
0x7c: {  	_ =	shalt  }
0x7d: {  	_ =	shalt  }
0x7e: {  	_ =	shalt  }
0x7f: {  	_ =	shalt  }
0x80: {  	_ =	shalt  }
0x81: {  	_ =	shalt  }
0x82: {  	_ =	shalt  }
0x83: {  	_ =	shalt  }
0x84: {  	_ =	shalt  }
0x85: {  	_ =	shalt  }
0x86: {  	_ =	shalt  }
0x87: {  	_ =	shalt  }
.Lfunc_end0:
.L_simem_size_0:
called_computation.3_lowered:
.L_overlay_start_0:
0x88: {  	s2 =	sld [smem:$0x3FD9]  }
0x89: {  	s3 =	sld [smem:$0x3FFE];
	_ =	sdelay $0x1  }
0x8a: {  	s1 =	srdreg.scid  }
0x8b: {  	s0 =	sand.u32 $0x1, s1  }
0x8c: {  	s14 =	sshll.u32 s0, $0xA;
	s2 =	sadd.s32 s3, s2  }
0x8d: {  	s2 =	sadd.s32 s2, s14  }
0x8e: {  	[smem:$0x3FBE] =	sst s2  }
0x8f: {  	_ = 	snop  }
0x90: {  	s2 =	sld [smem:$0x3FD0];
	_ =	sdelay $0x2  }
0x91: {  	s15 =	simm.s32 $0xA;
	s4 =	simm.s32 $0x10  }
0x92: {  	[smem:s4], [sflag:s15] =	dma.local [hbm:s2], $0x1  }
0x93: {  	_ =	swait.eq [sflag:s15], $0x1  }
0x94: {  	[sflag:s15] =	ssyncset.done $0x0  }
0x95: {  	[sflag:s15] =	ssyncadd.s32 $0xFFFFFFFF  }
0x96: {  	s16 =	sld [smem:$0x10];
	(tm) =	ssettm $0x1  }
0x97: {  	s17 =	sld [smem:$0x3FFB];
	_ =	sdelay $0x3  }
0x98: {  	_ =	strace s17  }
0x99: {  	s3 =	sld [smem:$0x3FFC];
	_ =	sdelay $0x3  }
0x9a: {  	_ =	strace s3  }
0x9b: {  	s3 =	sld [smem:$0x3FFD];
	_ =	sdelay $0x3  }
0x9c: {  	_ =	strace s3  }
0x9d: {  	_ =	strace $0x8FFFFFFF  }
0x9e: {  	s18 =	sld [smem:$0x3FDB];
	_ =	sdelay $0x1  }
0x9f: {  	s19 =	simm.s32 $_scs_section_size  }
0xa0: {  	s5 =	simm.s32 $_size__tile_overlayer_lowered;
	s6 =	simm.s32 $_tile_overlayer_lowered  }
0xa1: {  	s22 =	simm.s32 $0x1BFF;
	s21 =	sshll.u32 s6, $0x1;
	s3 =	sadd.s32 s19, s18  }
0xa2: {  	s7 =	simm.s32 $0x0;
	s20 =	sshll.u32 s5, $0x1;
	s5 =	sadd.s32 s21, s3  }
0xa3: {  	[timem:s7], [sflag:s22] =	dma.local [hbm:s5], s20  }
0xa4: {  	_ =	swait.ge [sflag:s22], s20  }
0xa5: {  	s4 =	ssub.s32 $0x0, s20;
	[sflag:s22] =	ssyncset.done $0x0  }
0xa6: {  	[sflag:s22] =	ssyncadd.s32 s4;
	_ =	sdelay $0x1  }
0xa7: {  	s23 =	simm.s32 $0x1B8B  }
0xa8: {  	_ =	swait.ge [sflag:s23], $0x1  }
0xa9: {  	[sflag:s23] =	ssyncset.done $0x0  }
0xaa: {  	s25 =	simm.s32 $0x1B8E;
	s24 =	sld [smem:$0x3FFE];
	[sflag:s23] =	ssyncadd.s32 $0xFFFFFFFF  }
0xab: {  	s26 =	simm.s32 $execute0_lowered;
	[smem:$0x3FD2] =	sst s25  }
0xac: {  	s5 =	sshll.u32 s26, $0x1;
	_ =	strace $0x8000004F;
	[dreg:$0x1] =	wrdreg $0xFFFFFFFF  }
0xad: {  	s28 =	simm.s32 $_size_execute0_lowered;
	s3 =	sadd.s32 s3, s5;
	[dreg:$0x0] =	wrdreg $0x0  }
0xae: {  	s5 =	sshll.u32 s28, $0x1;
	[dreg:$0x2] =	wrdreg s3  }
0xaf: {  	[dreg:$0x3] =	wrdreg s5  }
0xb0: {  	[dreg:$0x4] =	wrdreg $0xC0  }
0xb1: {  	_ =	task [dreg:s7], $0x5FFFF  }
0xb2: {  	[dreg:$0x1] =	wrdreg $0xFFFFFFFF  }
0xb3: {  	[dreg:$0x0] =	wrdreg $0x60  }
0xb4: {  	[dreg:$0x2] =	wrdreg s24  }
0xb5: {  	[dreg:$0x3] =	wrdreg s16  }
0xb6: {  	[dreg:$0x4] =	wrdreg $0x9  }
0xb7: {  	_ =	task.clear_ibuf [dreg:s7], $0x5FFFF;
	_ =	strace $0x9000004F  }
0xb8: {  	s29 =	simm.s32 $0x9;
	_ =	strace $0x80000051  }
0xb9: {  	_ =	swait.ge [sflag:s29], $0x1  }
0xba: {  	[sflag:s29] =	ssyncadd.s32 $0xFFFFFFFF  }
0xbb: {  	_ =	strace $0x90000051  }
0xbc: {  	_ =	sfence  }
0xbd: {  	s30 =	sld [smem:$0x0];
	_ =	sdelay $0x2  }
0xbe: {  	s31 =	sshll.u32 s1, $0xD;
	s1 =	sshrl.u32 s1, $0x2  }
0xbf: {  	s3 =	sand.u32 $0x4000, s31;
	s1 =	sadd.s32 s1, s30  }
0xc0: {  	s0 =	sor.u32 s3, s0;
	s1 =	sshll.u32 s1, $0x11  }
0xc1: {  	s0 =	sor.u32 s1, s0  }
0xc2: {  	s0 =	sadd.s32 $0x8F2B, s0  }
0xc3: {  	[sflag:s0] =	ssyncadd.remote.s32 $0x1  }
0xc4: {  	_ =	sfence.sel $0xFFFF  }
0xc5: {  	[dreg:$0x0] =	wrdreg $0xFFFFFFFF;
	(pc) =	sbr.abs _section_cstart, $3  }
0xc6: {  	[dreg:$0x1] =	wrdreg $0xFFFFFFFF  }
0xc7: {  	_ =	task.clear_ibuf [dreg:s7], $0x2FFFF;
	_ =	strace $0x9FFFFFFF  }
0xc8: {  	(tm) =	ssettm $0x7FFFFFFF  }
0xc9: {  	_ =	shalt  }
tec
execute0_lowered:
.L_overlay_start_1:
0x0: {  	(tag) =	ssettag $0x1  }
0x1: {  	s4 =	rddreg [dreg:$0x0];
	s1 =	srdreg.scid  }
0x2: {  	s0 =	stileid.u32;
	s6 =	rddreg [dreg:$0x1]  }
0x3: {  	s2 =	simm.s32 $0x0;
	s11 =	simm.s32 $0x2;
	s12 =	simm.s32 $0x3  }
0x4: {  	s13 =	simm.s32 $0x9C40;
	s14 =	simm.s32 $0x4;
	s15 =	simm.s32 $0x0  }
0x5: {  	s3 =	sand.u32 $0x1, s1;
	s5 =	sshll.u32 s0, $0x1;
	s1 =	rddreg [dreg:$0x2]  }
0x6: {  	[smem:$0x7FF] =	sst s2;
	s5 =	sor.u32 s3, s5;
	s8 =	ssub.s32 $0x2, s3  }
0x7: {  	_ =	strace $0x80000050;
	s7 =	smul.u32 $0x4E20, s5;
	s9 =	sshrl.u32 s8, $0x1  }
0x8: {  	s3 =	sadd.s32 $0x4400, s4;
	s10 =	smul.u32 $0x9D0, s5;
	s31 =	ssub.s32 s8, s9  }
0x9: {  	s8 =	simm.s32 $0x2710;
	s9 =	simm.s32 $0x4E20;
	s7 =	sshrl.u32 s7, $0x3  }
0xa: {  	s6 =	sadd.s32 s6, s10;
	s10 =	simm.s32 $0x1;
	s30 =	sadd.s32 s7, s4  }
0xb: {  	v0 =	vimm.f32 $0.0e+00;
	s7 =	smax.u32 s31, $0x1;
	s4 =	sadd.s32 $0xE200, s30;
	s5 =	sadd.s32 $0xE6E2, s30  }
.LBB2_1:
0xc: {  	[tilespmem:s2], [sflag:$0x1] =	stream.linear.gather [hbm4b:s4+s2], $0x2710, $0x38;
	[tilespmem:$0xEA60] =	vst v63  }
0xd: {  	_ = 	snop  }
0xe: {  	[tilespmem:s8], [sflag:$0x2] =	stream.linear.gather [hbm4b:s5+s2], $0x2710, $0x38;
	[tilespmem:$0xEA60] =	vst v63  }
0xf: {  	s16 =	simm.s32 $0x0;
	s17 =	simm.s32 $0x280  }
0x10: {  	[tilespmem:s9], [sflag:$0x3] =	stream.linear.gather [hbm4b:s3+s2], $0x4E20, $0x38;
	[tilespmem:$0xEA60] =	vst v63  }
.LBB2_2:
0x11: {  	p0 =	sne.s32 s17, $0x13600;
	[tilespmem:s16+$0x9CD0] =	vst v0  }
0x12: {  	[tilespmem:s16+$0x9C40] =	vst v0  }
0x13: {  	[tilespmem:s16+$0x9C50] =	vst v0  }
0x14: {  	[tilespmem:s16+$0x9C60] =	vst v0  }
0x15: {  	[tilespmem:s16+$0x9C70] =	vst v0  }
.Ltmp0:
0x16: {  	[tilespmem:s16+$0x9C80] =	vst v0;
	(pc) =	sbr.rel @p0 .LBB2_2-.Ltmp0, $4  }
0x17: {  	[tilespmem:s16+$0x9C90] =	vst v0  }
0x18: {  	[tilespmem:s16+$0x9CA0] =	vst v0  }
0x19: {  	[tilespmem:s16+$0x9CB0] =	vst v0  }
0x1a: {  	[tilespmem:s16+$0x9CC0] =	vst v0;
	s16 =	sshra.s32 s17, $0x2;
	s17 =	sadd.s32 $0x280, s17  }
0x1b: {  	[tilespmem:s16+$0x9CD0] =	vst v0  }
0x1c: {  	[tilespmem:s16+$0x9C40] =	vst v0  }
0x1d: {  	[tilespmem:s16+$0x9C50] =	vst v0  }
0x1e: {  	[tilespmem:s16+$0x9C60] =	vst v0  }
0x1f: {  	[tilespmem:s16+$0x9C70] =	vst v0  }
0x20: {  	[tilespmem:s16+$0x9C80] =	vst v0  }
0x21: {  	[tilespmem:s16+$0x9C90] =	vst v0  }
0x22: {  	[tilespmem:s16+$0x9CA0] =	vst v0  }
0x23: {  	[tilespmem:s16+$0x9CB0] =	vst v0  }
0x24: {  	[tilespmem:s16+$0x9CC0] =	vst v0  }
0x25: {  	_ =	swait.ge [sflag:s10], $0x2710  }
0x26: {  	[sflag:s10] =	ssyncset.done $0x0  }
0x27: {  	[sflag:s10] =	ssyncadd.s32 $0xFFFFD8F0  }
0x28: {  	_ =	swait.ge [sflag:s11], $0x2710  }
0x29: {  	[sflag:s11] =	ssyncset.done $0x0  }
0x2a: {  	[sflag:s11] =	ssyncadd.s32 $0xFFFFD8F0  }
0x2b: {  	_ =	swait.ge [sflag:s12], $0x4E20  }
0x2c: {  	[sflag:s12] =	ssyncset.done $0x0  }
0x2d: {  	s31 =	simm.s32 $0x0;
	[sflag:s12] =	ssyncadd.s32 $0xFFFFB1E0  }
0x2e: {  	v1 =	vld [tilespmem:s31+$0x0];
	_ =	sdelay $0x4  }
0x2f: {  	v3 =	vld [tilespmem:s31+$0x2710];
	v2 =	vadd.s32 $0x2710, v1;
	_ =	sdelay $0x1  }
0x30: {  	v4 =	vld [tilespmem:s31+$0x10]  }
0x31: {  	v1 =	vld.idx.msk [tilespmem:v1+s9+$0x0], $0xffff;
	_ =	sdelay $0x1  }
0x32: {  	v5 =	vadd.s32 $0x2710, v3;
	v2 =	vld.idx.msk [tilespmem:v2+s9+$0x0], $0xffff;
	_ =	sdelay $0x1  }
0x33: {  	v6 =	vld [tilespmem:s31+$0x2720]  }
0x34: {  	[tilespmem:v3+s13+$0x0] =	vst.idx.add.f32.msk $0xffff, v1;
	v1 =	vadd.s32 $0x2710, v4;
	_ =	sdelay $0x1  }
0x35: {  	[tilespmem:v5+s13+$0x0] =	vst.idx.add.f32.msk $0xffff, v2  }
0x36: {  	v3 =	vld.idx.msk [tilespmem:v4+s9+$0x0], $0xffff;
	_ =	sdelay $0x1  }
0x37: {  	v2 =	vadd.s32 $0x2710, v6;
	v1 =	vld.idx.msk [tilespmem:v1+s9+$0x0], $0xffff;
	_ =	sdelay $0x2  }
0x38: {  	s16 =	simm.s32 $0x80;
	s17 =	simm.s32 $0x100;
	[tilespmem:v6+s13+$0x0] =	vst.idx.add.f32.msk $0xffff, v3  }
.LBB2_4:
0x39: {  	p0 =	sne.s32 s17, $0x9B80  }
0x3a: {  	s18 =	sshra.s32 s16, $0x2;
	[tilespmem:v2+s13+$0x0] =	vst.idx.add.f32.msk $0xffff, v1;
	s16 =	smov.u32 s17;
	s17 =	sadd.s32 $0x80, s17  }
0x3b: {  	v1 =	vld [tilespmem:s18+$0x0];
	_ =	sdelay $0x4  }
0x3c: {  	v2 =	vadd.s32 $0x2710, v1  }
0x3d: {  	v3 =	vld [tilespmem:s18+$0x2710];
	_ =	sdelay $0x1  }
0x3e: {  	v4 =	vld [tilespmem:s18+$0x10]  }
0x3f: {  	v1 =	vld.idx.msk [tilespmem:v1+s9+$0x0], $0xffff  }
0x40: {  	v2 =	vld.idx.msk [tilespmem:v2+s9+$0x0], $0xffff  }
0x41: {  	v5 =	vadd.s32 $0x2710, v3;
	_ =	sdelay $0x1  }
0x42: {  	v6 =	vadd.s32 $0x2710, v4  }
0x43: {  	v7 =	vld [tilespmem:s18+$0x2720]  }
0x44: {  	[tilespmem:v3+s13+$0x0] =	vst.idx.add.f32.msk $0xffff, v1  }
0x45: {  	[tilespmem:v5+s13+$0x0] =	vst.idx.add.f32.msk $0xffff, v2  }
0x46: {  	v3 =	vld.idx.msk [tilespmem:v4+s9+$0x0], $0xffff  }
0x47: {  	v1 =	vld.idx.msk [tilespmem:v6+s9+$0x0], $0xffff  }
.Ltmp1:
0x48: {  	v2 =	vadd.s32 $0x2710, v7;
	(pc) =	sbr.rel @p0 .LBB2_4-.Ltmp1, $2  }
0x49: {  	_ =	sdelay $0x2  }
0x4a: {  	[tilespmem:v7+s13+$0x0] =	vst.idx.add.f32.msk $0xffff, v3  }
0x4b: {  	_ =	sdelay $0x3  }
0x4c: {  	s16 =	sshra.s32 s16, $0x2;
	[tilespmem:v2+s13+$0x0] =	vst.idx.add.f32.msk $0xffff, v1  }
0x4d: {  	v1 =	vld [tilespmem:s16+$0x0];
	_ =	sdelay $0x4  }
0x4e: {  	v3 =	vld [tilespmem:s16+$0x2710];
	v2 =	vadd.s32 $0x2710, v1;
	_ =	sdelay $0x1  }
0x4f: {  	v4 =	vld [tilespmem:s16+$0x10];
	_ =	sdelay $0x1  }
0x50: {  	v1 =	vld.idx.msk [tilespmem:v1+s9+$0x0], $0xffff  }
0x51: {  	v5 =	vadd.s32 $0x2710, v3;
	v2 =	vld.idx.msk [tilespmem:v2+s9+$0x0], $0xffff;
	_ =	sdelay $0x1  }
0x52: {  	v7 =	vld [tilespmem:s16+$0x2720];
	v6 =	vadd.s32 $0x2710, v4;
	_ =	sdelay $0x1  }
0x53: {  	[tilespmem:v3+s13+$0x0] =	vst.idx.add.f32.msk $0xffff, v1  }
0x54: {  	[tilespmem:v5+s13+$0x0] =	vst.idx.add.f32.msk $0xffff, v2  }
0x55: {  	v1 =	vld.idx.msk [tilespmem:v4+s9+$0x0], $0xffff  }
0x56: {  	v3 =	vadd.s32 $0x2710, v7;
	v2 =	vld.idx.msk [tilespmem:v6+s9+$0x0], $0xffff;
	_ =	sdelay $0x3  }
0x57: {  	[tilespmem:v7+s13+$0x0] =	vst.idx.add.f32.msk $0xffff, v1  }
0x58: {  	[tilespmem:v3+s13+$0x0] =	vst.idx.add.f32.msk $0xffff, v2  }
0x59: {  	v1 =	vld [tilespmem:$0x2700];
	_ =	sdelay $0x4  }
0x5a: {  	v2 =	vld [tilespmem:$0x4E10];
	v3 =	vadd.s32 $0x2710, v1;
	_ =	sdelay $0x3  }
0x5b: {  	v1 =	vld.idx.msk [tilespmem:v1+s9+$0x0], $0xffff  }
0x5c: {  	v63 =	vadd.s32 $0x2710, v2;
	v3 =	vld.idx.msk [tilespmem:v3+s9+$0x0], $0xffff;
	_ =	sdelay $0x2  }
0x5d: {  	s15 =	sadd.s32 $0x1, s15  }
0x5e: {  	p0 =	sne.s32 s15, s7;
	[tilespmem:v2+s13+$0x0] =	vst.idx.add.f32.msk $0xffff, v1  }
.Ltmp2:
0x5f: {  	[tilespmem:v63+s13+$0x0] =	vst.idx.add.f32.msk $0xffff, v3;
	(pc) =	sbr.rel @p0 .LBB2_1-.Ltmp2, $4  }
0x60: {  	[hbm4b:s6+s2] =	stream.linear.scatter [tilespmem:s13], [sflag:$0x4], $0x4E20, $0x38;
	[tilespmem:$0xEA60] =	vst v63  }
0x61: {  	_ =	swait.ge [sflag:s14], $0x4E20  }
0x62: {  	[sflag:s14] =	ssyncset.done $0x0  }
0x63: {  	[sflag:s14] =	ssyncadd.s32 $0xFFFFB1E0  }
0x64: {  	_ =	sfence.sel $0x180000  }
0x65: {  	[bflag:$0x0] =	sbarrier.arrive $0xFFFF  }
0x66: {  	p0 =	sne.s32 s0, $0x0;
	_ =	strace $0x90000050  }
0x67: {  	s0 =	sadd.s32 @!p0 $0x100000, s1;
	[bflag:$0x2] =	sbarrier.arrive $0xFFFF  }
0x68: {  	[sflag:s0] =	ssyncadd.tile.s32 @!p0 $0x1;
	_ =	shalt  }
.Lfunc_end2:
_tile_overlayer_lowered:
.L_overlay_start_2:
0x69: {  	(tag) =	ssettag $0x2  }
0x6a: {  	s0 =	rddreg [dreg:$0x0];
	s2 =	stileid.u32  }
0x6b: {  	s1 =	rddreg [dreg:$0x1];
	p0 =	sne.s32 s2, $0x0  }
0x6c: {  	s3 =	rddreg [dreg:$0x2];
	[bflag:$0x3] =	sbarrier.arrive $0xFFFF;
	s2 =	simm.s32 @!p0 $0x1C04  }
0x6d: {  	[timem:s3], [sflag:s2] =	dma.local @!p0 [hbm:s0], s1  }
0x6e: {  	s0 =	simm.s32 @!p0 $0x4  }
0x6f: {  	_ =	swait.ge @!p0 [sflag:s0], s1  }
0x70: {  	s1 =	ssub.s32 @!p0 $0x0, s1;
	[sflag:s0] =	ssyncset.done @!p0 $0x0  }
0x71: {  	[sflag:s0] =	ssyncadd.s32 @!p0 s1  }
0x72: {  	[bflag:$0x3] =	sbarrier.arrive $0xFFFF  }
0x73: {  	_ =	shalt  }

</sc_bundles>
